<compile_context>
chip_gen: v7x
topology: tpu7x:2x2x1
jax: 0.10.2.dev20260603
libtpu: 0.0.44.dev20260713+nightly
codegen_flags: <defaults>
</compile_context>

<pallas_src>
import functools

import jax
import jax.numpy as jnp
from jax import lax
from jax.experimental import pallas as pl
from jax.experimental.pallas import tpu as pltpu
from jax.experimental.pallas import tpu_sc as plsc

NUM_T = 7
LANES = 16
NC, NS = 2, 16
NW = NC * NS
CHUNK = 16384
NBUF = 2


def _searchsorted_vreg(s, T):
    b2 = T[3] < s
    t1 = jnp.where(b2, T[5], T[1])
    b1 = t1 < s
    t0 = jnp.where(b2, jnp.where(b1, T[6], T[4]),
                   jnp.where(b1, T[2], T[0]))
    b0 = t0 < s
    four = jnp.full((LANES,), 4, jnp.int32)
    two = jnp.full((LANES,), 2, jnp.int32)
    one = jnp.full((LANES,), 1, jnp.int32)
    zero = jnp.zeros((LANES,), jnp.int32)
    return (jnp.where(b2, four, zero) + jnp.where(b1, two, zero)
            + jnp.where(b0, one, zero))


def _make_sc_kernel(n):
    per_w = n // NW
    chunks = per_w // CHUNK
    mesh = plsc.VectorSubcoreMesh(core_axis_name="c", subcore_axis_name="s")

    @functools.partial(
        pl.kernel,
        out_type=jax.ShapeDtypeStruct((n,), jnp.int32),
        mesh=mesh,
        scratch_types=[
            pltpu.VMEM((NUM_T, LANES), jnp.float32),
            pltpu.VMEM((NBUF, CHUNK), jnp.float32),
            pltpu.VMEM((NBUF, CHUNK), jnp.int32),
            pltpu.SemaphoreType.DMA((NBUF,)),
            pltpu.SemaphoreType.DMA((NBUF,)),
        ],
    )
    def body(scores_hbm, thr_hbm, out_hbm, thr_v, in_v, out_v, in_sem,
             out_sem):
        wid = lax.axis_index("s") * NC + lax.axis_index("c")
        base = wid * per_w
        pltpu.sync_copy(thr_hbm, thr_v)
        T = [thr_v[i] for i in range(NUM_T)]
        degenerate = T[0][0] == T[NUM_T - 1][0]

        def in_cp(ci, b):
            return pltpu.make_async_copy(
                scores_hbm.at[pl.ds(base + ci * CHUNK, CHUNK)],
                in_v.at[b], in_sem.at[b])

        def out_cp(ci, b):
            return pltpu.make_async_copy(
                out_v.at[b],
                out_hbm.at[pl.ds(base + ci * CHUNK, CHUNK)], out_sem.at[b])

        for b in range(NBUF):
            in_cp(b, b).start()

        def step(ci, b):
            in_cp(ci, b).wait()

            @pl.when(ci >= NBUF)
            def _():
                out_cp(ci - NBUF, b).wait()

            def fast_path():
                seven = jnp.full((LANES,), NUM_T, jnp.int32)
                zero = jnp.zeros((LANES,), jnp.int32)

                @plsc.parallel_loop(0, CHUNK, step=LANES, unroll=8)
                def _(vi):
                    s = in_v[b, pl.ds(vi, LANES)]
                    out_v[b, pl.ds(vi, LANES)] = jnp.where(T[0] < s, seven,
                                                           zero)

            def general_path():
                @plsc.parallel_loop(0, CHUNK, step=LANES, unroll=8)
                def _(vi):
                    s = in_v[b, pl.ds(vi, LANES)]
                    out_v[b, pl.ds(vi, LANES)] = _searchsorted_vreg(s, T)

            lax.cond(degenerate, fast_path, general_path)
            out_cp(ci, b).start()

            @pl.when(ci + NBUF < chunks)
            def _():
                in_cp(ci + NBUF, b).start()

        def outer(g, c):
            for b in range(NBUF):
                step(g * NBUF + b, b)
            return c

        lax.fori_loop(0, chunks // NBUF, outer, 0)
        for b in range(NBUF):
            out_cp(chunks - NBUF + b, b).wait()

    return body


def kernel(scores, thresholds):
    n = scores.shape[0]
    thr16 = jnp.broadcast_to(thresholds[:, None], (NUM_T, LANES))
    return _make_sc_kernel(n)(scores, thr16)

# --- scband reference (transcript-rebuilt; emitter-appended) ---
"""Pipeline reference for scband-ordinal-thresholding-44702019616863 (READ-ONLY COPY).

The authoritative reference and input builder live on the scoring server;
editing this copy changes nothing except your own understanding.
"""

import jax, jax.numpy as jnp
import numpy as np

NUM_CLASSES = 8
N = 33554432

def setup_inputs(seed: int = 0) -> dict:
    key = jax.random.key(seed)
    scores = jax.random.normal(key, (N,), dtype=jnp.float32)
    # registered buffer: thresholds = zeros(num_classes - 1)
    thresholds = jnp.zeros((NUM_CLASSES - 1,), dtype=jnp.float32)
    return {"scores": scores, "thresholds": thresholds}

def reference(scores, thresholds):
    # torch.searchsorted(self.thresholds, scores) with default right=False == side='left'
    return jnp.searchsorted(thresholds, scores, side='left')

if __name__ == "__main__":
    import jax
    _d = setup_inputs()
    print(jax.jit(kernel)(*tuple(_d.values())))

</pallas_src>

<mosaic_0001>
#map = affine_map<(d0, d1) -> (0)>
#map1 = affine_map<(d0, d1) -> (0, 0)>
module attributes {stable_mosaic.version = 14 : i64} {
  func.func @body(%arg0: i32, %arg1: i32, %arg2: memref<33554432xf32, #tpu.memory_space<hbm>>, %arg3: memref<7x16xf32, #tpu.memory_space<hbm>>, %arg4: memref<33554432xi32, #tpu.memory_space<hbm>>, %arg5: memref<7x16xf32, #tpu.memory_space<vmem>>, %arg6: memref<2x16384xf32, #tpu.memory_space<vmem>>, %arg7: memref<2x16384xi32, #tpu.memory_space<vmem>>, %arg8: memref<2x!tpu.dma_semaphore, #tpu.memory_space<semaphore_mem>>, %arg9: memref<2x!tpu.dma_semaphore, #tpu.memory_space<semaphore_mem>>) attributes {dimension_semantics = [#tpu.dimension_semantics<core_parallel>, #tpu.dimension_semantics<subcore_parallel>], iteration_bounds = array<i64: 2, 16>, scalar_prefetch = 0 : i64, scratch_operands = 5 : i64, tpu.core_type = #tpu.core_type<sc_vector_subcore>, window_params = [{transform_indices = #map}, {transform_indices = #map1}, {transform_indices = #map}]} {
    %mul3A = arith.constant 2 : i32
    %mul3A_0 = arith.muli %arg1, %mul3A : i32
    %add3A = arith.addi %mul3A_0, %arg0 : i32
    %mul3A_1 = arith.constant 1048576 : i32
    %mul3A_2 = arith.muli %add3A, %mul3A_1 : i32
    "tpu.region"() ({
      %run_scoped3A = tpu.sem_alloc : memref<!tpu.dma_semaphore, #tpu.memory_space<semaphore_mem>>
      tpu.enqueue_dma source(%arg3 : memref<7x16xf32, #tpu.memory_space<hbm>>) target(%arg5 : memref<7x16xf32, #tpu.memory_space<vmem>>) target_semaphore(%run_scoped3A : memref<!tpu.dma_semaphore, #tpu.memory_space<semaphore_mem>>)
      tpu.wait_dma2 semaphore(%run_scoped3A : memref<!tpu.dma_semaphore, #tpu.memory_space<semaphore_mem>>) src(%arg3 : memref<7x16xf32, #tpu.memory_space<hbm>>) dst(%arg5 : memref<7x16xf32, #tpu.memory_space<vmem>>)
      tpu.yield
    }) : () -> ()
    %get3A = arith.constant 0 : i32
    %get3A_3 = arith.index_cast %get3A : i32 to index
    %get3A_4 = arith.constant 0 : index
    %get3A_5 = tpu.vector_load %arg5[%get3A_3, %get3A_4] {strides = array<i32>} : memref<7x16xf32, #tpu.memory_space<vmem>>, vector<1x16xf32>,
    %get3A_6 = vector.shape_cast %get3A_5 : vector<1x16xf32> to vector<16xf32>
    %get3A_7 = arith.constant 1 : i32
    %get3A_8 = arith.index_cast %get3A_7 : i32 to index
    %get3A_9 = arith.constant 0 : index
    %get3A_10 = tpu.vector_load %arg5[%get3A_8, %get3A_9] {strides = array<i32>} : memref<7x16xf32, #tpu.memory_space<vmem>>, vector<1x16xf32>,
    %get3A_11 = vector.shape_cast %get3A_10 : vector<1x16xf32> to vector<16xf32>
    %get3A_12 = arith.constant 2 : i32
    %get3A_13 = arith.index_cast %get3A_12 : i32 to index
    %get3A_14 = arith.constant 0 : index
    %get3A_15 = tpu.vector_load %arg5[%get3A_13, %get3A_14] {strides = array<i32>} : memref<7x16xf32, #tpu.memory_space<vmem>>, vector<1x16xf32>,
    %get3A_16 = vector.shape_cast %get3A_15 : vector<1x16xf32> to vector<16xf32>
    %get3A_17 = arith.constant 3 : i32
    %get3A_18 = arith.index_cast %get3A_17 : i32 to index
    %get3A_19 = arith.constant 0 : index
    %get3A_20 = tpu.vector_load %arg5[%get3A_18, %get3A_19] {strides = array<i32>} : memref<7x16xf32, #tpu.memory_space<vmem>>, vector<1x16xf32>,
    %get3A_21 = vector.shape_cast %get3A_20 : vector<1x16xf32> to vector<16xf32>
    %get3A_22 = arith.constant 4 : i32
    %get3A_23 = arith.index_cast %get3A_22 : i32 to index
    %get3A_24 = arith.constant 0 : index
    %get3A_25 = tpu.vector_load %arg5[%get3A_23, %get3A_24] {strides = array<i32>} : memref<7x16xf32, #tpu.memory_space<vmem>>, vector<1x16xf32>,
    %get3A_26 = vector.shape_cast %get3A_25 : vector<1x16xf32> to vector<16xf32>
    %get3A_27 = arith.constant 5 : i32
    %get3A_28 = arith.index_cast %get3A_27 : i32 to index
    %get3A_29 = arith.constant 0 : index
    %get3A_30 = tpu.vector_load %arg5[%get3A_28, %get3A_29] {strides = array<i32>} : memref<7x16xf32, #tpu.memory_space<vmem>>, vector<1x16xf32>,
    %get3A_31 = vector.shape_cast %get3A_30 : vector<1x16xf32> to vector<16xf32>
    %get3A_32 = arith.constant 6 : i32
    %get3A_33 = arith.index_cast %get3A_32 : i32 to index
    %get3A_34 = arith.constant 0 : index
    %get3A_35 = tpu.vector_load %arg5[%get3A_33, %get3A_34] {strides = array<i32>} : memref<7x16xf32, #tpu.memory_space<vmem>>, vector<1x16xf32>,
    %get3A_36 = vector.shape_cast %get3A_35 : vector<1x16xf32> to vector<16xf32>
    %slice3A = vector.extract_strided_slice %get3A_6 {offsets = [0], sizes = [1], strides = [1]} : vector<16xf32> to vector<1xf32>
    %squeeze3A = vector.extract %slice3A[0] : f32 from vector<1xf32>
    %slice3A_37 = vector.extract_strided_slice %get3A_36 {offsets = [0], sizes = [1], strides = [1]} : vector<16xf32> to vector<1xf32>
    %squeeze3A_38 = vector.extract %slice3A_37[0] : f32 from vector<1xf32>
    %eq3A = arith.cmpf oeq, %squeeze3A, %squeeze3A_38 : f32
    %add3A_39 = arith.constant 0 : i32
    %add3A_40 = arith.addi %mul3A_2, %add3A_39 : i32
    %dma_start3A = arith.constant 0 : i32
    %dma_start3A_41 = arith.constant 0 : i32
    %dma_start3A_42 = arith.constant 0 : i32
    %dma_start3A_43 = tpu.memref_slice %arg6[%dma_start3A, %dma_start3A_42] : memref<2x16384xf32, #tpu.memory_space<vmem>> -> memref<1x16384xf32, #tpu.memory_space<vmem>>
    %dma_start3A_44 = tpu.memref_squeeze %dma_start3A_43 : memref<1x16384xf32, #tpu.memory_space<vmem>> -> memref<16384xf32, #tpu.memory_space<vmem>>
    %dma_start3A_45 = tpu.memref_slice %arg2[%add3A_40] : memref<33554432xf32, #tpu.memory_space<hbm>> -> memref<16384xf32, #tpu.memory_space<hbm>>
    %dma_start3A_46 = tpu.memref_slice %arg8[%dma_start3A_41] : memref<2x!tpu.dma_semaphore, #tpu.memory_space<semaphore_mem>> -> memref<1x!tpu.dma_semaphore, #tpu.memory_space<semaphore_mem>>
    %dma_start3A_47 = tpu.memref_squeeze %dma_start3A_46 : memref<1x!tpu.dma_semaphore, #tpu.memory_space<semaphore_mem>> -> memref<!tpu.dma_semaphore, #tpu.memory_space<semaphore_mem>>
    %dma_start3A_48 = arith.constant 0 : i32
    %dma_start3A_49 = tpu.memref_slice %arg6[%dma_start3A, %dma_start3A_48] : memref<2x16384xf32, #tpu.memory_space<vmem>> -> memref<1x16384xf32, #tpu.memory_space<vmem>>
    %dma_start3A_50 = tpu.memref_squeeze %dma_start3A_49 : memref<1x16384xf32, #tpu.memory_space<vmem>> -> memref<16384xf32, #tpu.memory_space<vmem>>
    %dma_start3A_51 = tpu.memref_slice %arg2[%add3A_40] : memref<33554432xf32, #tpu.memory_space<hbm>> -> memref<16384xf32, #tpu.memory_space<hbm>>
    tpu.enqueue_dma source(%dma_start3A_51 : memref<16384xf32, #tpu.memory_space<hbm>>) target(%dma_start3A_50 : memref<16384xf32, #tpu.memory_space<vmem>>) target_semaphore(%dma_start3A_47 : memref<!tpu.dma_semaphore, #tpu.memory_space<semaphore_mem>>)
    %add3A_52 = arith.constant 16384 : i32
    %add3A_53 = arith.addi %mul3A_2, %add3A_52 : i32
    %dma_start3A_54 = arith.constant 1 : i32
    %dma_start3A_55 = arith.constant 1 : i32
    %dma_start3A_56 = arith.constant 0 : i32
    %dma_start3A_57 = tpu.memref_slice %arg6[%dma_start3A_54, %dma_start3A_56] : memref<2x16384xf32, #tpu.memory_space<vmem>> -> memref<1x16384xf32, #tpu.memory_space<vmem>>
    %dma_start3A_58 = tpu.memref_squeeze %dma_start3A_57 : memref<1x16384xf32, #tpu.memory_space<vmem>> -> memref<16384xf32, #tpu.memory_space<vmem>>
    %dma_start3A_59 = tpu.memref_slice %arg2[%add3A_53] : memref<33554432xf32, #tpu.memory_space<hbm>> -> memref<16384xf32, #tpu.memory_space<hbm>>
    %dma_start3A_60 = tpu.memref_slice %arg8[%dma_start3A_55] : memref<2x!tpu.dma_semaphore, #tpu.memory_space<semaphore_mem>> -> memref<1x!tpu.dma_semaphore, #tpu.memory_space<semaphore_mem>>
    %dma_start3A_61 = tpu.memref_squeeze %dma_start3A_60 : memref<1x!tpu.dma_semaphore, #tpu.memory_space<semaphore_mem>> -> memref<!tpu.dma_semaphore, #tpu.memory_space<semaphore_mem>>
    %dma_start3A_62 = arith.constant 0 : i32
    %dma_start3A_63 = tpu.memref_slice %arg6[%dma_start3A_54, %dma_start3A_62] : memref<2x16384xf32, #tpu.memory_space<vmem>> -> memref<1x16384xf32, #tpu.memory_space<vmem>>
    %dma_start3A_64 = tpu.memref_squeeze %dma_start3A_63 : memref<1x16384xf32, #tpu.memory_space<vmem>> -> memref<16384xf32, #tpu.memory_space<vmem>>
    %dma_start3A_65 = tpu.memref_slice %arg2[%add3A_53] : memref<33554432xf32, #tpu.memory_space<hbm>> -> memref<16384xf32, #tpu.memory_space<hbm>>
    tpu.enqueue_dma source(%dma_start3A_65 : memref<16384xf32, #tpu.memory_space<hbm>>) target(%dma_start3A_64 : memref<16384xf32, #tpu.memory_space<vmem>>) target_semaphore(%dma_start3A_61 : memref<!tpu.dma_semaphore, #tpu.memory_space<semaphore_mem>>)
    %scan3A = arith.constant 0 : i32
    %scan3A_66 = arith.constant 0 : i32
    %scan3A_67 = arith.constant 32 : i32
    %scan3A_68 = arith.addi %scan3A_66, %scan3A_67 : i32
    %scan3A_69 = arith.constant 1 : i32
    scf.for %scan3A_98 = %scan3A_66 to %scan3A_68 step %scan3A_69  : i32 {
      %mul3A_99 = arith.constant 2 : i32
      %mul3A_100 = arith.muli %scan3A_98, %mul3A_99 : i32
      %add3A_101 = arith.constant 0 : i32
      %add3A_102 = arith.addi %mul3A_100, %add3A_101 : i32
      %mul3A_103 = arith.constant 16384 : i32
      %mul3A_104 = arith.muli %add3A_102, %mul3A_103 : i32
      %add3A_105 = arith.addi %mul3A_2, %mul3A_104 : i32
      %dma_wait3A_106 = arith.constant 0 : i32
      %dma_wait3A_107 = arith.constant 0 : i32
      %dma_wait3A_108 = arith.constant 0 : i32
      %dma_wait3A_109 = tpu.memref_slice %arg6[%dma_wait3A_106, %dma_wait3A_108] : memref<2x16384xf32, #tpu.memory_space<vmem>> -> memref<1x16384xf32, #tpu.memory_space<vmem>>
      %dma_wait3A_110 = tpu.memref_squeeze %dma_wait3A_109 : memref<1x16384xf32, #tpu.memory_space<vmem>> -> memref<16384xf32, #tpu.memory_space<vmem>>
      %dma_wait3A_111 = tpu.memref_slice %arg2[%add3A_105] : memref<33554432xf32, #tpu.memory_space<hbm>> -> memref<16384xf32, #tpu.memory_space<hbm>>
      %dma_wait3A_112 = tpu.memref_slice %arg8[%dma_wait3A_107] : memref<2x!tpu.dma_semaphore, #tpu.memory_space<semaphore_mem>> -> memref<1x!tpu.dma_semaphore, #tpu.memory_space<semaphore_mem>>
      %dma_wait3A_113 = tpu.memref_squeeze %dma_wait3A_112 : memref<1x!tpu.dma_semaphore, #tpu.memory_space<semaphore_mem>> -> memref<!tpu.dma_semaphore, #tpu.memory_space<semaphore_mem>>
      %dma_wait3A_114 = arith.constant 0 : i32
      %dma_wait3A_115 = tpu.memref_slice %arg6[%dma_wait3A_106, %dma_wait3A_114] : memref<2x16384xf32, #tpu.memory_space<vmem>> -> memref<1x16384xf32, #tpu.memory_space<vmem>>
      %dma_wait3A_116 = tpu.memref_squeeze %dma_wait3A_115 : memref<1x16384xf32, #tpu.memory_space<vmem>> -> memref<16384xf32, #tpu.memory_space<vmem>>
      %dma_wait3A_117 = tpu.memref_slice %arg2[%add3A_105] : memref<33554432xf32, #tpu.memory_space<hbm>> -> memref<16384xf32, #tpu.memory_space<hbm>>
      tpu.wait_dma2 semaphore(%dma_wait3A_113 : memref<!tpu.dma_semaphore, #tpu.memory_space<semaphore_mem>>) src(%dma_wait3A_117 : memref<16384xf32, #tpu.memory_space<hbm>>) dst(%dma_wait3A_116 : memref<16384xf32, #tpu.memory_space<vmem>>)
      %ge3A = arith.constant 2 : i32
      %ge3A_118 = arith.cmpi sge, %add3A_102, %ge3A : i32
      %convert_element_type3A = arith.extui %ge3A_118 : i1 to i32
      %cond3A = arith.constant 0 : i32
      %cond3A_119 = arith.cmpi ne, %convert_element_type3A, %cond3A : i32
      scf.if %cond3A_119 {
        %sub3A = arith.constant 2 : i32
        %sub3A_193 = arith.subi %add3A_102, %sub3A : i32
        %mul3A_194 = arith.constant 16384 : i32
        %mul3A_195 = arith.muli %sub3A_193, %mul3A_194 : i32
        %add3A_196 = arith.addi %mul3A_2, %mul3A_195 : i32
        %dma_wait3A_197 = arith.constant 0 : i32
        %dma_wait3A_198 = arith.constant 0 : i32
        %dma_wait3A_199 = arith.constant 0 : i32
        %dma_wait3A_200 = tpu.memref_slice %arg7[%dma_wait3A_197, %dma_wait3A_199] : memref<2x16384xi32, #tpu.memory_space<vmem>> -> memref<1x16384xi32, #tpu.memory_space<vmem>>
        %dma_wait3A_201 = tpu.memref_squeeze %dma_wait3A_200 : memref<1x16384xi32, #tpu.memory_space<vmem>> -> memref<16384xi32, #tpu.memory_space<vmem>>
        %dma_wait3A_202 = tpu.memref_slice %arg4[%add3A_196] : memref<33554432xi32, #tpu.memory_space<hbm>> -> memref<16384xi32, #tpu.memory_space<hbm>>
        %dma_wait3A_203 = tpu.memref_slice %arg9[%dma_wait3A_198] : memref<2x!tpu.dma_semaphore, #tpu.memory_space<semaphore_mem>> -> memref<1x!tpu.dma_semaphore, #tpu.memory_space<semaphore_mem>>
        %dma_wait3A_204 = tpu.memref_squeeze %dma_wait3A_203 : memref<1x!tpu.dma_semaphore, #tpu.memory_space<semaphore_mem>> -> memref<!tpu.dma_semaphore, #tpu.memory_space<semaphore_mem>>
        %dma_wait3A_205 = tpu.memref_slice %arg4[%add3A_196] : memref<33554432xi32, #tpu.memory_space<hbm>> -> memref<16384xi32, #tpu.memory_space<hbm>>
        %dma_wait3A_206 = arith.constant 0 : i32
        %dma_wait3A_207 = tpu.memref_slice %arg7[%dma_wait3A_197, %dma_wait3A_206] : memref<2x16384xi32, #tpu.memory_space<vmem>> -> memref<1x16384xi32, #tpu.memory_space<vmem>>
        %dma_wait3A_208 = tpu.memref_squeeze %dma_wait3A_207 : memref<1x16384xi32, #tpu.memory_space<vmem>> -> memref<16384xi32, #tpu.memory_space<vmem>>
        tpu.wait_dma2 semaphore(%dma_wait3A_204 : memref<!tpu.dma_semaphore, #tpu.memory_space<semaphore_mem>>) src(%dma_wait3A_208 : memref<16384xi32, #tpu.memory_space<vmem>>) dst(%dma_wait3A_205 : memref<16384xi32, #tpu.memory_space<hbm>>)
      } else {
      }
      %convert_element_type3A_120 = arith.extui %eq3A : i1 to i32
      %cond3A_121 = arith.constant 0 : i32
      %cond3A_122 = arith.cmpi ne, %convert_element_type3A_120, %cond3A_121 : i32
      scf.if %cond3A_122 {
        %broadcast_in_dim3A = arith.constant 7 : i32
        %broadcast_in_dim3A_193 = vector.broadcast %broadcast_in_dim3A : i32 to vector<16xi32>
        %broadcast_in_dim3A_194 = arith.constant 0 : i32
        %broadcast_in_dim3A_195 = vector.broadcast %broadcast_in_dim3A_194 : i32 to vector<16xi32>
        %parallel_loop3A = arith.constant 0 : i32
        %parallel_loop3A_196 = arith.constant 16384 : i32
        %parallel_loop3A_197 = arith.constant 16 : i32
        scf.for %parallel_loop3A_198 = %parallel_loop3A to %parallel_loop3A_196 step %parallel_loop3A_197  : i32 {
          %parallel_loop3A_199 = arith.constant 0 : i32
          %parallel_loop3A_200 = arith.index_cast %parallel_loop3A_199 : i32 to index
          %parallel_loop3A_201 = arith.index_cast %parallel_loop3A_198 : i32 to index
          %parallel_loop3A_202 = tpu.vector_load %arg6[%parallel_loop3A_200, %parallel_loop3A_201] {strides = array<i32>} : memref<2x16384xf32, #tpu.memory_space<vmem>>, vector<1x16xf32>,
          %parallel_loop3A_203 = vector.shape_cast %parallel_loop3A_202 : vector<1x16xf32> to vector<16xf32>
          %parallel_loop3A_204 = arith.cmpf olt, %get3A_6, %parallel_loop3A_203 : vector<16xf32>
          %parallel_loop3A_205 = arith.select %parallel_loop3A_204, %broadcast_in_dim3A_193, %broadcast_in_dim3A_195 : vector<16xi1>, vector<16xi32>
          %parallel_loop3A_206 = arith.constant 0 : i32
          %parallel_loop3A_207 = arith.index_cast %parallel_loop3A_206 : i32 to index
          %parallel_loop3A_208 = arith.index_cast %parallel_loop3A_198 : i32 to index
          %parallel_loop3A_209 = tpu.vector_load %arg7[%parallel_loop3A_207, %parallel_loop3A_208] {strides = array<i32>} : memref<2x16384xi32, #tpu.memory_space<vmem>>, vector<1x16xi32>,
          %parallel_loop3A_210 = vector.shape_cast %parallel_loop3A_209 : vector<1x16xi32> to vector<16xi32>
          %parallel_loop3A_211 = vector.shape_cast %parallel_loop3A_205 : vector<16xi32> to vector<1x16xi32>
          tpu.vector_store %arg7[%parallel_loop3A_207, %parallel_loop3A_208], %parallel_loop3A_211 {strides = array<i32>} : memref<2x16384xi32, #tpu.memory_space<vmem>>, vector<1x16xi32>,
        } {sc.loop_unroll_factor = 8 : i64, sc.parallel_access}
      } else {
        %parallel_loop3A = arith.constant 0 : i32
        %parallel_loop3A_193 = arith.constant 16384 : i32
        %parallel_loop3A_194 = arith.constant 16 : i32
        scf.for %parallel_loop3A_195 = %parallel_loop3A to %parallel_loop3A_193 step %parallel_loop3A_194  : i32 {
          %parallel_loop3A_196 = arith.constant 0 : i32
          %parallel_loop3A_197 = arith.index_cast %parallel_loop3A_196 : i32 to index
          %parallel_loop3A_198 = arith.index_cast %parallel_loop3A_195 : i32 to index
          %parallel_loop3A_199 = tpu.vector_load %arg6[%parallel_loop3A_197, %parallel_loop3A_198] {strides = array<i32>} : memref<2x16384xf32, #tpu.memory_space<vmem>>, vector<1x16xf32>,
          %parallel_loop3A_200 = vector.shape_cast %parallel_loop3A_199 : vector<1x16xf32> to vector<16xf32>
          %parallel_loop3A_201 = arith.cmpf olt, %get3A_21, %parallel_loop3A_200 : vector<16xf32>
          %parallel_loop3A_202 = arith.select %parallel_loop3A_201, %get3A_31, %get3A_11 : vector<16xi1>, vector<16xf32>
          %parallel_loop3A_203 = arith.cmpf olt, %parallel_loop3A_202, %parallel_loop3A_200 : vector<16xf32>
          %parallel_loop3A_204 = arith.select %parallel_loop3A_203, %get3A_36, %get3A_26 : vector<16xi1>, vector<16xf32>
          %parallel_loop3A_205 = arith.select %parallel_loop3A_203, %get3A_16, %get3A_6 : vector<16xi1>, vector<16xf32>
          %parallel_loop3A_206 = arith.select %parallel_loop3A_201, %parallel_loop3A_204, %parallel_loop3A_205 : vector<16xi1>, vector<16xf32>
          %parallel_loop3A_207 = arith.cmpf olt, %parallel_loop3A_206, %parallel_loop3A_200 : vector<16xf32>
          %parallel_loop3A_208 = arith.constant 4 : i32
          %parallel_loop3A_209 = vector.broadcast %parallel_loop3A_208 : i32 to vector<16xi32>
          %parallel_loop3A_210 = arith.constant 2 : i32
          %parallel_loop3A_211 = vector.broadcast %parallel_loop3A_210 : i32 to vector<16xi32>
          %parallel_loop3A_212 = arith.constant 1 : i32
          %parallel_loop3A_213 = vector.broadcast %parallel_loop3A_212 : i32 to vector<16xi32>
          %parallel_loop3A_214 = arith.constant 0 : i32
          %parallel_loop3A_215 = vector.broadcast %parallel_loop3A_214 : i32 to vector<16xi32>
          %parallel_loop3A_216 = arith.select %parallel_loop3A_201, %parallel_loop3A_209, %parallel_loop3A_215 : vector<16xi1>, vector<16xi32>
          %parallel_loop3A_217 = arith.select %parallel_loop3A_203, %parallel_loop3A_211, %parallel_loop3A_215 : vector<16xi1>, vector<16xi32>
          %parallel_loop3A_218 = arith.addi %parallel_loop3A_216, %parallel_loop3A_217 : vector<16xi32>
          %parallel_loop3A_219 = arith.select %parallel_loop3A_207, %parallel_loop3A_213, %parallel_loop3A_215 : vector<16xi1>, vector<16xi32>
          %parallel_loop3A_220 = arith.addi %parallel_loop3A_218, %parallel_loop3A_219 : vector<16xi32>
          %parallel_loop3A_221 = arith.constant 0 : i32
          %parallel_loop3A_222 = arith.index_cast %parallel_loop3A_221 : i32 to index
          %parallel_loop3A_223 = arith.index_cast %parallel_loop3A_195 : i32 to index
          %parallel_loop3A_224 = tpu.vector_load %arg7[%parallel_loop3A_222, %parallel_loop3A_223] {strides = array<i32>} : memref<2x16384xi32, #tpu.memory_space<vmem>>, vector<1x16xi32>,
          %parallel_loop3A_225 = vector.shape_cast %parallel_loop3A_224 : vector<1x16xi32> to vector<16xi32>
          %parallel_loop3A_226 = vector.shape_cast %parallel_loop3A_220 : vector<16xi32> to vector<1x16xi32>
          tpu.vector_store %arg7[%parallel_loop3A_222, %parallel_loop3A_223], %parallel_loop3A_226 {strides = array<i32>} : memref<2x16384xi32, #tpu.memory_space<vmem>>, vector<1x16xi32>,
        } {sc.loop_unroll_factor = 8 : i64, sc.parallel_access}
      }
      %mul3A_123 = arith.constant 16384 : i32
      %mul3A_124 = arith.muli %add3A_102, %mul3A_123 : i32
      %add3A_125 = arith.addi %mul3A_2, %mul3A_124 : i32
      %dma_start3A_126 = arith.constant 0 : i32
      %dma_start3A_127 = arith.constant 0 : i32
      %dma_start3A_128 = arith.constant 0 : i32
      %dma_start3A_129 = tpu.memref_slice %arg7[%dma_start3A_126, %dma_start3A_128] : memref<2x16384xi32, #tpu.memory_space<vmem>> -> memref<1x16384xi32, #tpu.memory_space<vmem>>
      %dma_start3A_130 = tpu.memref_squeeze %dma_start3A_129 : memref<1x16384xi32, #tpu.memory_space<vmem>> -> memref<16384xi32, #tpu.memory_space<vmem>>
      %dma_start3A_131 = tpu.memref_slice %arg4[%add3A_125] : memref<33554432xi32, #tpu.memory_space<hbm>> -> memref<16384xi32, #tpu.memory_space<hbm>>
      %dma_start3A_132 = tpu.memref_slice %arg9[%dma_start3A_127] : memref<2x!tpu.dma_semaphore, #tpu.memory_space<semaphore_mem>> -> memref<1x!tpu.dma_semaphore, #tpu.memory_space<semaphore_mem>>
      %dma_start3A_133 = tpu.memref_squeeze %dma_start3A_132 : memref<1x!tpu.dma_semaphore, #tpu.memory_space<semaphore_mem>> -> memref<!tpu.dma_semaphore, #tpu.memory_space<semaphore_mem>>
      %dma_start3A_134 = tpu.memref_slice %arg4[%add3A_125] : memref<33554432xi32, #tpu.memory_space<hbm>> -> memref<16384xi32, #tpu.memory_space<hbm>>
      %dma_start3A_135 = arith.constant 0 : i32
      %dma_start3A_136 = tpu.memref_slice %arg7[%dma_start3A_126, %dma_start3A_135] : memref<2x16384xi32, #tpu.memory_space<vmem>> -> memref<1x16384xi32, #tpu.memory_space<vmem>>
      %dma_start3A_137 = tpu.memref_squeeze %dma_start3A_136 : memref<1x16384xi32, #tpu.memory_space<vmem>> -> memref<16384xi32, #tpu.memory_space<vmem>>
      tpu.enqueue_dma source(%dma_start3A_137 : memref<16384xi32, #tpu.memory_space<vmem>>) target(%dma_start3A_134 : memref<16384xi32, #tpu.memory_space<hbm>>) target_semaphore(%dma_start3A_133 : memref<!tpu.dma_semaphore, #tpu.memory_space<semaphore_mem>>)
      %add3A_138 = arith.constant 2 : i32
      %add3A_139 = arith.addi %add3A_102, %add3A_138 : i32
      %lt3A = arith.constant 64 : i32
      %lt3A_140 = arith.cmpi slt, %add3A_139, %lt3A : i32
      %convert_element_type3A_141 = arith.extui %lt3A_140 : i1 to i32
      %cond3A_142 = arith.constant 0 : i32
      %cond3A_143 = arith.cmpi ne, %convert_element_type3A_141, %cond3A_142 : i32
      scf.if %cond3A_143 {
        %add3A_193 = arith.constant 2 : i32
        %add3A_194 = arith.addi %add3A_102, %add3A_193 : i32
        %mul3A_195 = arith.constant 16384 : i32
        %mul3A_196 = arith.muli %add3A_194, %mul3A_195 : i32
        %add3A_197 = arith.addi %mul3A_2, %mul3A_196 : i32
        %dma_start3A_198 = arith.constant 0 : i32
        %dma_start3A_199 = arith.constant 0 : i32
        %dma_start3A_200 = arith.constant 0 : i32
        %dma_start3A_201 = tpu.memref_slice %arg6[%dma_start3A_198, %dma_start3A_200] : memref<2x16384xf32, #tpu.memory_space<vmem>> -> memref<1x16384xf32, #tpu.memory_space<vmem>>
        %dma_start3A_202 = tpu.memref_squeeze %dma_start3A_201 : memref<1x16384xf32, #tpu.memory_space<vmem>> -> memref<16384xf32, #tpu.memory_space<vmem>>
        %dma_start3A_203 = tpu.memref_slice %arg2[%add3A_197] : memref<33554432xf32, #tpu.memory_space<hbm>> -> memref<16384xf32, #tpu.memory_space<hbm>>
        %dma_start3A_204 = tpu.memref_slice %arg8[%dma_start3A_199] : memref<2x!tpu.dma_semaphore, #tpu.memory_space<semaphore_mem>> -> memref<1x!tpu.dma_semaphore, #tpu.memory_space<semaphore_mem>>
        %dma_start3A_205 = tpu.memref_squeeze %dma_start3A_204 : memref<1x!tpu.dma_semaphore, #tpu.memory_space<semaphore_mem>> -> memref<!tpu.dma_semaphore, #tpu.memory_space<semaphore_mem>>
        %dma_start3A_206 = arith.constant 0 : i32
        %dma_start3A_207 = tpu.memref_slice %arg6[%dma_start3A_198, %dma_start3A_206] : memref<2x16384xf32, #tpu.memory_space<vmem>> -> memref<1x16384xf32, #tpu.memory_space<vmem>>
        %dma_start3A_208 = tpu.memref_squeeze %dma_start3A_207 : memref<1x16384xf32, #tpu.memory_space<vmem>> -> memref<16384xf32, #tpu.memory_space<vmem>>
        %dma_start3A_209 = tpu.memref_slice %arg2[%add3A_197] : memref<33554432xf32, #tpu.memory_space<hbm>> -> memref<16384xf32, #tpu.memory_space<hbm>>
        tpu.enqueue_dma source(%dma_start3A_209 : memref<16384xf32, #tpu.memory_space<hbm>>) target(%dma_start3A_208 : memref<16384xf32, #tpu.memory_space<vmem>>) target_semaphore(%dma_start3A_205 : memref<!tpu.dma_semaphore, #tpu.memory_space<semaphore_mem>>)
      } else {
      }
      %mul3A_144 = arith.constant 2 : i32
      %mul3A_145 = arith.muli %scan3A_98, %mul3A_144 : i32
      %add3A_146 = arith.constant 1 : i32
      %add3A_147 = arith.addi %mul3A_145, %add3A_146 : i32
      %mul3A_148 = arith.constant 16384 : i32
      %mul3A_149 = arith.muli %add3A_147, %mul3A_148 : i32
      %add3A_150 = arith.addi %mul3A_2, %mul3A_149 : i32
      %dma_wait3A_151 = arith.constant 1 : i32
      %dma_wait3A_152 = arith.constant 1 : i32
      %dma_wait3A_153 = arith.constant 0 : i32
      %dma_wait3A_154 = tpu.memref_slice %arg6[%dma_wait3A_151, %dma_wait3A_153] : memref<2x16384xf32, #tpu.memory_space<vmem>> -> memref<1x16384xf32, #tpu.memory_space<vmem>>
      %dma_wait3A_155 = tpu.memref_squeeze %dma_wait3A_154 : memref<1x16384xf32, #tpu.memory_space<vmem>> -> memref<16384xf32, #tpu.memory_space<vmem>>
      %dma_wait3A_156 = tpu.memref_slice %arg2[%add3A_150] : memref<33554432xf32, #tpu.memory_space<hbm>> -> memref<16384xf32, #tpu.memory_space<hbm>>
      %dma_wait3A_157 = tpu.memref_slice %arg8[%dma_wait3A_152] : memref<2x!tpu.dma_semaphore, #tpu.memory_space<semaphore_mem>> -> memref<1x!tpu.dma_semaphore, #tpu.memory_space<semaphore_mem>>
      %dma_wait3A_158 = tpu.memref_squeeze %dma_wait3A_157 : memref<1x!tpu.dma_semaphore, #tpu.memory_space<semaphore_mem>> -> memref<!tpu.dma_semaphore, #tpu.memory_space<semaphore_mem>>
      %dma_wait3A_159 = arith.constant 0 : i32
      %dma_wait3A_160 = tpu.memref_slice %arg6[%dma_wait3A_151, %dma_wait3A_159] : memref<2x16384xf32, #tpu.memory_space<vmem>> -> memref<1x16384xf32, #tpu.memory_space<vmem>>
      %dma_wait3A_161 = tpu.memref_squeeze %dma_wait3A_160 : memref<1x16384xf32, #tpu.memory_space<vmem>> -> memref<16384xf32, #tpu.memory_space<vmem>>
      %dma_wait3A_162 = tpu.memref_slice %arg2[%add3A_150] : memref<33554432xf32, #tpu.memory_space<hbm>> -> memref<16384xf32, #tpu.memory_space<hbm>>
      tpu.wait_dma2 semaphore(%dma_wait3A_158 : memref<!tpu.dma_semaphore, #tpu.memory_space<semaphore_mem>>) src(%dma_wait3A_162 : memref<16384xf32, #tpu.memory_space<hbm>>) dst(%dma_wait3A_161 : memref<16384xf32, #tpu.memory_space<vmem>>)
      %ge3A_163 = arith.constant 2 : i32
      %ge3A_164 = arith.cmpi sge, %add3A_147, %ge3A_163 : i32
      %convert_element_type3A_165 = arith.extui %ge3A_164 : i1 to i32
      %cond3A_166 = arith.constant 0 : i32
      %cond3A_167 = arith.cmpi ne, %convert_element_type3A_165, %cond3A_166 : i32
      scf.if %cond3A_167 {
        %sub3A = arith.constant 2 : i32
        %sub3A_193 = arith.subi %add3A_147, %sub3A : i32
        %mul3A_194 = arith.constant 16384 : i32
        %mul3A_195 = arith.muli %sub3A_193, %mul3A_194 : i32
        %add3A_196 = arith.addi %mul3A_2, %mul3A_195 : i32
        %dma_wait3A_197 = arith.constant 1 : i32
        %dma_wait3A_198 = arith.constant 1 : i32
        %dma_wait3A_199 = arith.constant 0 : i32
        %dma_wait3A_200 = tpu.memref_slice %arg7[%dma_wait3A_197, %dma_wait3A_199] : memref<2x16384xi32, #tpu.memory_space<vmem>> -> memref<1x16384xi32, #tpu.memory_space<vmem>>
        %dma_wait3A_201 = tpu.memref_squeeze %dma_wait3A_200 : memref<1x16384xi32, #tpu.memory_space<vmem>> -> memref<16384xi32, #tpu.memory_space<vmem>>
        %dma_wait3A_202 = tpu.memref_slice %arg4[%add3A_196] : memref<33554432xi32, #tpu.memory_space<hbm>> -> memref<16384xi32, #tpu.memory_space<hbm>>
        %dma_wait3A_203 = tpu.memref_slice %arg9[%dma_wait3A_198] : memref<2x!tpu.dma_semaphore, #tpu.memory_space<semaphore_mem>> -> memref<1x!tpu.dma_semaphore, #tpu.memory_space<semaphore_mem>>
        %dma_wait3A_204 = tpu.memref_squeeze %dma_wait3A_203 : memref<1x!tpu.dma_semaphore, #tpu.memory_space<semaphore_mem>> -> memref<!tpu.dma_semaphore, #tpu.memory_space<semaphore_mem>>
        %dma_wait3A_205 = tpu.memref_slice %arg4[%add3A_196] : memref<33554432xi32, #tpu.memory_space<hbm>> -> memref<16384xi32, #tpu.memory_space<hbm>>
        %dma_wait3A_206 = arith.constant 0 : i32
        %dma_wait3A_207 = tpu.memref_slice %arg7[%dma_wait3A_197, %dma_wait3A_206] : memref<2x16384xi32, #tpu.memory_space<vmem>> -> memref<1x16384xi32, #tpu.memory_space<vmem>>
        %dma_wait3A_208 = tpu.memref_squeeze %dma_wait3A_207 : memref<1x16384xi32, #tpu.memory_space<vmem>> -> memref<16384xi32, #tpu.memory_space<vmem>>
        tpu.wait_dma2 semaphore(%dma_wait3A_204 : memref<!tpu.dma_semaphore, #tpu.memory_space<semaphore_mem>>) src(%dma_wait3A_208 : memref<16384xi32, #tpu.memory_space<vmem>>) dst(%dma_wait3A_205 : memref<16384xi32, #tpu.memory_space<hbm>>)
      } else {
      }
      %convert_element_type3A_168 = arith.extui %eq3A : i1 to i32
      %cond3A_169 = arith.constant 0 : i32
      %cond3A_170 = arith.cmpi ne, %convert_element_type3A_168, %cond3A_169 : i32
      scf.if %cond3A_170 {
        %broadcast_in_dim3A = arith.constant 7 : i32
        %broadcast_in_dim3A_193 = vector.broadcast %broadcast_in_dim3A : i32 to vector<16xi32>
        %broadcast_in_dim3A_194 = arith.constant 0 : i32
        %broadcast_in_dim3A_195 = vector.broadcast %broadcast_in_dim3A_194 : i32 to vector<16xi32>
        %parallel_loop3A = arith.constant 0 : i32
        %parallel_loop3A_196 = arith.constant 16384 : i32
        %parallel_loop3A_197 = arith.constant 16 : i32
        scf.for %parallel_loop3A_198 = %parallel_loop3A to %parallel_loop3A_196 step %parallel_loop3A_197  : i32 {
          %parallel_loop3A_199 = arith.constant 1 : i32
          %parallel_loop3A_200 = arith.index_cast %parallel_loop3A_199 : i32 to index
          %parallel_loop3A_201 = arith.index_cast %parallel_loop3A_198 : i32 to index
          %parallel_loop3A_202 = tpu.vector_load %arg6[%parallel_loop3A_200, %parallel_loop3A_201] {strides = array<i32>} : memref<2x16384xf32, #tpu.memory_space<vmem>>, vector<1x16xf32>,
          %parallel_loop3A_203 = vector.shape_cast %parallel_loop3A_202 : vector<1x16xf32> to vector<16xf32>
          %parallel_loop3A_204 = arith.cmpf olt, %get3A_6, %parallel_loop3A_203 : vector<16xf32>
          %parallel_loop3A_205 = arith.select %parallel_loop3A_204, %broadcast_in_dim3A_193, %broadcast_in_dim3A_195 : vector<16xi1>, vector<16xi32>
          %parallel_loop3A_206 = arith.constant 1 : i32
          %parallel_loop3A_207 = arith.index_cast %parallel_loop3A_206 : i32 to index
          %parallel_loop3A_208 = arith.index_cast %parallel_loop3A_198 : i32 to index
          %parallel_loop3A_209 = tpu.vector_load %arg7[%parallel_loop3A_207, %parallel_loop3A_208] {strides = array<i32>} : memref<2x16384xi32, #tpu.memory_space<vmem>>, vector<1x16xi32>,
          %parallel_loop3A_210 = vector.shape_cast %parallel_loop3A_209 : vector<1x16xi32> to vector<16xi32>
          %parallel_loop3A_211 = vector.shape_cast %parallel_loop3A_205 : vector<16xi32> to vector<1x16xi32>
          tpu.vector_store %arg7[%parallel_loop3A_207, %parallel_loop3A_208], %parallel_loop3A_211 {strides = array<i32>} : memref<2x16384xi32, #tpu.memory_space<vmem>>, vector<1x16xi32>,
        } {sc.loop_unroll_factor = 8 : i64, sc.parallel_access}
      } else {
        %parallel_loop3A = arith.constant 0 : i32
        %parallel_loop3A_193 = arith.constant 16384 : i32
        %parallel_loop3A_194 = arith.constant 16 : i32
        scf.for %parallel_loop3A_195 = %parallel_loop3A to %parallel_loop3A_193 step %parallel_loop3A_194  : i32 {
          %parallel_loop3A_196 = arith.constant 1 : i32
          %parallel_loop3A_197 = arith.index_cast %parallel_loop3A_196 : i32 to index
          %parallel_loop3A_198 = arith.index_cast %parallel_loop3A_195 : i32 to index
          %parallel_loop3A_199 = tpu.vector_load %arg6[%parallel_loop3A_197, %parallel_loop3A_198] {strides = array<i32>} : memref<2x16384xf32, #tpu.memory_space<vmem>>, vector<1x16xf32>,
          %parallel_loop3A_200 = vector.shape_cast %parallel_loop3A_199 : vector<1x16xf32> to vector<16xf32>
          %parallel_loop3A_201 = arith.cmpf olt, %get3A_21, %parallel_loop3A_200 : vector<16xf32>
          %parallel_loop3A_202 = arith.select %parallel_loop3A_201, %get3A_31, %get3A_11 : vector<16xi1>, vector<16xf32>
          %parallel_loop3A_203 = arith.cmpf olt, %parallel_loop3A_202, %parallel_loop3A_200 : vector<16xf32>
          %parallel_loop3A_204 = arith.select %parallel_loop3A_203, %get3A_36, %get3A_26 : vector<16xi1>, vector<16xf32>
          %parallel_loop3A_205 = arith.select %parallel_loop3A_203, %get3A_16, %get3A_6 : vector<16xi1>, vector<16xf32>
          %parallel_loop3A_206 = arith.select %parallel_loop3A_201, %parallel_loop3A_204, %parallel_loop3A_205 : vector<16xi1>, vector<16xf32>
          %parallel_loop3A_207 = arith.cmpf olt, %parallel_loop3A_206, %parallel_loop3A_200 : vector<16xf32>
          %parallel_loop3A_208 = arith.constant 4 : i32
          %parallel_loop3A_209 = vector.broadcast %parallel_loop3A_208 : i32 to vector<16xi32>
          %parallel_loop3A_210 = arith.constant 2 : i32
          %parallel_loop3A_211 = vector.broadcast %parallel_loop3A_210 : i32 to vector<16xi32>
          %parallel_loop3A_212 = arith.constant 1 : i32
          %parallel_loop3A_213 = vector.broadcast %parallel_loop3A_212 : i32 to vector<16xi32>
          %parallel_loop3A_214 = arith.constant 0 : i32
          %parallel_loop3A_215 = vector.broadcast %parallel_loop3A_214 : i32 to vector<16xi32>
          %parallel_loop3A_216 = arith.select %parallel_loop3A_201, %parallel_loop3A_209, %parallel_loop3A_215 : vector<16xi1>, vector<16xi32>
          %parallel_loop3A_217 = arith.select %parallel_loop3A_203, %parallel_loop3A_211, %parallel_loop3A_215 : vector<16xi1>, vector<16xi32>
          %parallel_loop3A_218 = arith.addi %parallel_loop3A_216, %parallel_loop3A_217 : vector<16xi32>
          %parallel_loop3A_219 = arith.select %parallel_loop3A_207, %parallel_loop3A_213, %parallel_loop3A_215 : vector<16xi1>, vector<16xi32>
          %parallel_loop3A_220 = arith.addi %parallel_loop3A_218, %parallel_loop3A_219 : vector<16xi32>
          %parallel_loop3A_221 = arith.constant 1 : i32
          %parallel_loop3A_222 = arith.index_cast %parallel_loop3A_221 : i32 to index
          %parallel_loop3A_223 = arith.index_cast %parallel_loop3A_195 : i32 to index
          %parallel_loop3A_224 = tpu.vector_load %arg7[%parallel_loop3A_222, %parallel_loop3A_223] {strides = array<i32>} : memref<2x16384xi32, #tpu.memory_space<vmem>>, vector<1x16xi32>,
          %parallel_loop3A_225 = vector.shape_cast %parallel_loop3A_224 : vector<1x16xi32> to vector<16xi32>
          %parallel_loop3A_226 = vector.shape_cast %parallel_loop3A_220 : vector<16xi32> to vector<1x16xi32>
          tpu.vector_store %arg7[%parallel_loop3A_222, %parallel_loop3A_223], %parallel_loop3A_226 {strides = array<i32>} : memref<2x16384xi32, #tpu.memory_space<vmem>>, vector<1x16xi32>,
        } {sc.loop_unroll_factor = 8 : i64, sc.parallel_access}
      }
      %mul3A_171 = arith.constant 16384 : i32
      %mul3A_172 = arith.muli %add3A_147, %mul3A_171 : i32
      %add3A_173 = arith.addi %mul3A_2, %mul3A_172 : i32
      %dma_start3A_174 = arith.constant 1 : i32
      %dma_start3A_175 = arith.constant 1 : i32
      %dma_start3A_176 = arith.constant 0 : i32
      %dma_start3A_177 = tpu.memref_slice %arg7[%dma_start3A_174, %dma_start3A_176] : memref<2x16384xi32, #tpu.memory_space<vmem>> -> memref<1x16384xi32, #tpu.memory_space<vmem>>
      %dma_start3A_178 = tpu.memref_squeeze %dma_start3A_177 : memref<1x16384xi32, #tpu.memory_space<vmem>> -> memref<16384xi32, #tpu.memory_space<vmem>>
      %dma_start3A_179 = tpu.memref_slice %arg4[%add3A_173] : memref<33554432xi32, #tpu.memory_space<hbm>> -> memref<16384xi32, #tpu.memory_space<hbm>>
      %dma_start3A_180 = tpu.memref_slice %arg9[%dma_start3A_175] : memref<2x!tpu.dma_semaphore, #tpu.memory_space<semaphore_mem>> -> memref<1x!tpu.dma_semaphore, #tpu.memory_space<semaphore_mem>>
      %dma_start3A_181 = tpu.memref_squeeze %dma_start3A_180 : memref<1x!tpu.dma_semaphore, #tpu.memory_space<semaphore_mem>> -> memref<!tpu.dma_semaphore, #tpu.memory_space<semaphore_mem>>
      %dma_start3A_182 = tpu.memref_slice %arg4[%add3A_173] : memref<33554432xi32, #tpu.memory_space<hbm>> -> memref<16384xi32, #tpu.memory_space<hbm>>
      %dma_start3A_183 = arith.constant 0 : i32
      %dma_start3A_184 = tpu.memref_slice %arg7[%dma_start3A_174, %dma_start3A_183] : memref<2x16384xi32, #tpu.memory_space<vmem>> -> memref<1x16384xi32, #tpu.memory_space<vmem>>
      %dma_start3A_185 = tpu.memref_squeeze %dma_start3A_184 : memref<1x16384xi32, #tpu.memory_space<vmem>> -> memref<16384xi32, #tpu.memory_space<vmem>>
      tpu.enqueue_dma source(%dma_start3A_185 : memref<16384xi32, #tpu.memory_space<vmem>>) target(%dma_start3A_182 : memref<16384xi32, #tpu.memory_space<hbm>>) target_semaphore(%dma_start3A_181 : memref<!tpu.dma_semaphore, #tpu.memory_space<semaphore_mem>>)
      %add3A_186 = arith.constant 2 : i32
      %add3A_187 = arith.addi %add3A_147, %add3A_186 : i32
      %lt3A_188 = arith.constant 64 : i32
      %lt3A_189 = arith.cmpi slt, %add3A_187, %lt3A_188 : i32
      %convert_element_type3A_190 = arith.extui %lt3A_189 : i1 to i32
      %cond3A_191 = arith.constant 0 : i32
      %cond3A_192 = arith.cmpi ne, %convert_element_type3A_190, %cond3A_191 : i32
      scf.if %cond3A_192 {
        %add3A_193 = arith.constant 2 : i32
        %add3A_194 = arith.addi %add3A_147, %add3A_193 : i32
        %mul3A_195 = arith.constant 16384 : i32
        %mul3A_196 = arith.muli %add3A_194, %mul3A_195 : i32
        %add3A_197 = arith.addi %mul3A_2, %mul3A_196 : i32
        %dma_start3A_198 = arith.constant 1 : i32
        %dma_start3A_199 = arith.constant 1 : i32
        %dma_start3A_200 = arith.constant 0 : i32
        %dma_start3A_201 = tpu.memref_slice %arg6[%dma_start3A_198, %dma_start3A_200] : memref<2x16384xf32, #tpu.memory_space<vmem>> -> memref<1x16384xf32, #tpu.memory_space<vmem>>
        %dma_start3A_202 = tpu.memref_squeeze %dma_start3A_201 : memref<1x16384xf32, #tpu.memory_space<vmem>> -> memref<16384xf32, #tpu.memory_space<vmem>>
        %dma_start3A_203 = tpu.memref_slice %arg2[%add3A_197] : memref<33554432xf32, #tpu.memory_space<hbm>> -> memref<16384xf32, #tpu.memory_space<hbm>>
        %dma_start3A_204 = tpu.memref_slice %arg8[%dma_start3A_199] : memref<2x!tpu.dma_semaphore, #tpu.memory_space<semaphore_mem>> -> memref<1x!tpu.dma_semaphore, #tpu.memory_space<semaphore_mem>>
        %dma_start3A_205 = tpu.memref_squeeze %dma_start3A_204 : memref<1x!tpu.dma_semaphore, #tpu.memory_space<semaphore_mem>> -> memref<!tpu.dma_semaphore, #tpu.memory_space<semaphore_mem>>
        %dma_start3A_206 = arith.constant 0 : i32
        %dma_start3A_207 = tpu.memref_slice %arg6[%dma_start3A_198, %dma_start3A_206] : memref<2x16384xf32, #tpu.memory_space<vmem>> -> memref<1x16384xf32, #tpu.memory_space<vmem>>
        %dma_start3A_208 = tpu.memref_squeeze %dma_start3A_207 : memref<1x16384xf32, #tpu.memory_space<vmem>> -> memref<16384xf32, #tpu.memory_space<vmem>>
        %dma_start3A_209 = tpu.memref_slice %arg2[%add3A_197] : memref<33554432xf32, #tpu.memory_space<hbm>> -> memref<16384xf32, #tpu.memory_space<hbm>>
        tpu.enqueue_dma source(%dma_start3A_209 : memref<16384xf32, #tpu.memory_space<hbm>>) target(%dma_start3A_208 : memref<16384xf32, #tpu.memory_space<vmem>>) target_semaphore(%dma_start3A_205 : memref<!tpu.dma_semaphore, #tpu.memory_space<semaphore_mem>>)
      } else {
      }
    }
    %scan3A_70 = arith.constant 32 : i32
    %add3A_71 = arith.constant 1015808 : i32
    %add3A_72 = arith.addi %mul3A_2, %add3A_71 : i32
    %dma_wait3A = arith.constant 0 : i32
    %dma_wait3A_73 = arith.constant 0 : i32
    %dma_wait3A_74 = arith.constant 0 : i32
    %dma_wait3A_75 = tpu.memref_slice %arg7[%dma_wait3A, %dma_wait3A_74] : memref<2x16384xi32, #tpu.memory_space<vmem>> -> memref<1x16384xi32, #tpu.memory_space<vmem>>
    %dma_wait3A_76 = tpu.memref_squeeze %dma_wait3A_75 : memref<1x16384xi32, #tpu.memory_space<vmem>> -> memref<16384xi32, #tpu.memory_space<vmem>>
    %dma_wait3A_77 = tpu.memref_slice %arg4[%add3A_72] : memref<33554432xi32, #tpu.memory_space<hbm>> -> memref<16384xi32, #tpu.memory_space<hbm>>
    %dma_wait3A_78 = tpu.memref_slice %arg9[%dma_wait3A_73] : memref<2x!tpu.dma_semaphore, #tpu.memory_space<semaphore_mem>> -> memref<1x!tpu.dma_semaphore, #tpu.memory_space<semaphore_mem>>
    %dma_wait3A_79 = tpu.memref_squeeze %dma_wait3A_78 : memref<1x!tpu.dma_semaphore, #tpu.memory_space<semaphore_mem>> -> memref<!tpu.dma_semaphore, #tpu.memory_space<semaphore_mem>>
    %dma_wait3A_80 = tpu.memref_slice %arg4[%add3A_72] : memref<33554432xi32, #tpu.memory_space<hbm>> -> memref<16384xi32, #tpu.memory_space<hbm>>
    %dma_wait3A_81 = arith.constant 0 : i32
    %dma_wait3A_82 = tpu.memref_slice %arg7[%dma_wait3A, %dma_wait3A_81] : memref<2x16384xi32, #tpu.memory_space<vmem>> -> memref<1x16384xi32, #tpu.memory_space<vmem>>
    %dma_wait3A_83 = tpu.memref_squeeze %dma_wait3A_82 : memref<1x16384xi32, #tpu.memory_space<vmem>> -> memref<16384xi32, #tpu.memory_space<vmem>>
    tpu.wait_dma2 semaphore(%dma_wait3A_79 : memref<!tpu.dma_semaphore, #tpu.memory_space<semaphore_mem>>) src(%dma_wait3A_83 : memref<16384xi32, #tpu.memory_space<vmem>>) dst(%dma_wait3A_80 : memref<16384xi32, #tpu.memory_space<hbm>>)
    %add3A_84 = arith.constant 1032192 : i32
    %add3A_85 = arith.addi %mul3A_2, %add3A_84 : i32
    %dma_wait3A_86 = arith.constant 1 : i32
    %dma_wait3A_87 = arith.constant 1 : i32
    %dma_wait3A_88 = arith.constant 0 : i32
    %dma_wait3A_89 = tpu.memref_slice %arg7[%dma_wait3A_86, %dma_wait3A_88] : memref<2x16384xi32, #tpu.memory_space<vmem>> -> memref<1x16384xi32, #tpu.memory_space<vmem>>
    %dma_wait3A_90 = tpu.memref_squeeze %dma_wait3A_89 : memref<1x16384xi32, #tpu.memory_space<vmem>> -> memref<16384xi32, #tpu.memory_space<vmem>>
    %dma_wait3A_91 = tpu.memref_slice %arg4[%add3A_85] : memref<33554432xi32, #tpu.memory_space<hbm>> -> memref<16384xi32, #tpu.memory_space<hbm>>
    %dma_wait3A_92 = tpu.memref_slice %arg9[%dma_wait3A_87] : memref<2x!tpu.dma_semaphore, #tpu.memory_space<semaphore_mem>> -> memref<1x!tpu.dma_semaphore, #tpu.memory_space<semaphore_mem>>
    %dma_wait3A_93 = tpu.memref_squeeze %dma_wait3A_92 : memref<1x!tpu.dma_semaphore, #tpu.memory_space<semaphore_mem>> -> memref<!tpu.dma_semaphore, #tpu.memory_space<semaphore_mem>>
    %dma_wait3A_94 = tpu.memref_slice %arg4[%add3A_85] : memref<33554432xi32, #tpu.memory_space<hbm>> -> memref<16384xi32, #tpu.memory_space<hbm>>
    %dma_wait3A_95 = arith.constant 0 : i32
    %dma_wait3A_96 = tpu.memref_slice %arg7[%dma_wait3A_86, %dma_wait3A_95] : memref<2x16384xi32, #tpu.memory_space<vmem>> -> memref<1x16384xi32, #tpu.memory_space<vmem>>
    %dma_wait3A_97 = tpu.memref_squeeze %dma_wait3A_96 : memref<1x16384xi32, #tpu.memory_space<vmem>> -> memref<16384xi32, #tpu.memory_space<vmem>>
    tpu.wait_dma2 semaphore(%dma_wait3A_93 : memref<!tpu.dma_semaphore, #tpu.memory_space<semaphore_mem>>) src(%dma_wait3A_97 : memref<16384xi32, #tpu.memory_space<vmem>>) dst(%dma_wait3A_94 : memref<16384xi32, #tpu.memory_space<hbm>>)
    return
  }
}

</mosaic_0001>

<sc_bundles>
// kernel: kernel.3.cloned.1.call-start
scs
__scs_entry_jumppad:
0x0: {  	(pc) =	sbr.rel $0x88, $3  }
0x1: {  	(tag) =	ssettag $0x0;
	lr =	simm.s32 $0x1  }
0x2: {  	[smem:$0x3F9F] =	sst lr;
	_ =	strace $0xD0000000  }
0x3: {  	_ = 	snop  }
0x4: {  	_ = 	snop  }
0x5: {  	_ = 	snop  }
0x6: {  	_ = 	snop  }
0x7: {  	_ = 	snop  }
__scs_overlays_trampoline_lowered:
0x8: {  	[smem:$0x3FAE] =	sst s0  }
0x9: {  	[smem:$0x3FAF] =	sst s1  }
0xa: {  	[smem:$0x3FB0] =	sst s2  }
0xb: {  	[smem:$0x3FB1] =	sst s3  }
0xc: {  	[smem:$0x3FB2] =	sst s4  }
0xd: {  	[smem:$0x3FB3] =	sst s5  }
0xe: {  	[smem:$0x3FB4] =	sst s6  }
0xf: {  	[smem:$0x3FB5] =	sst s7  }
0x10: {  	[smem:$0x3FB6] =	sst s8  }
0x11: {  	[smem:$0x3FB7] =	sst s9;
	s0 =	simm.s32 @!p0 $0x0  }
0x12: {  	s1 =	sld [smem:$0x3F9D];
	s0 =	simm.s32 @p0 $0x1  }
0x13: {  	[smem:$0x3FB8] =	sst s0;
	s0 =	simm.s32 @!p1 $0x0  }
0x14: {  	s2 =	sld [smem:$0x3F9C];
	s0 =	simm.s32 @p1 $0x1  }
0x15: {  	[smem:$0x3FB9] =	sst s0;
	s0 =	simm.s32 @!p2 $0x0  }
0x16: {  	s3 =	sld [smem:$0x3FDB];
	s0 =	simm.s32 @p2 $0x1  }
0x17: {  	s4 =	simm.s32 $0x1BF5;
	[smem:$0x3FBB] =	sst s0  }
0x18: {  	s0 =	sld [smem:$0x3F9E];
	_ =	swait.ge [sflag:s4], $0x0  }
0x19: {  	s7 =	sld [smem:$0x3F9F]  }
0x1a: {  	s8 =	sadd.s32 $0xFFFFE003, lr  }
0x1b: {  	s9 =	sadd.s32 $0xFFFFFEF7, lr;
	s5 =	simm.s32 $0xFFFFFFFF;
	p2 =	slt.u32 s8, $0xFFFFF086  }
0x1c: {  	p1 =	slt.u32 s9, $0xF7A;
	s5 =	simm.s32 @!p2 $0x0  }
0x1d: {  	s5 =	simm.s32 @p1 $0x1;
	p0 =	seq.s32 s7, s2  }
0x1e: {  	s7 =	smul.u32 @!p0 $0xF7A, s2;
	p2 =	seq.s32 @!p0 s5, $0x0  }
0x1f: {  	s9 =	smul.u32 $0xF7A, s1;
	s8 =	simm.s32 @!p0 $0x1BF5;
	p2 =	por !p2, p0  }
0x20: {  	[sflag:s8] =	ssyncset.s32 @!p0 $0xFFFFF086;
	s6 =	sadd.s32 @!p0 s3, s7;
	s7 =	simm.s32 @!p0 $0x108  }
0x21: {  	s3 =	sadd.s32 s3, s9;
	s6 =	sadd.s32 @!p0 $0x88, s6;
	s7 =	simm.s32 @p2 $0x1082  }
0x22: {  	[simem:s7], [sflag:s8] =	dma.local @!p0 [hbm:s6], $0xF7A  }
0x23: {  	s9 =	sor.u32 $0xD0000000, s2;
	s6 =	simm.s32 $0x108;
	_ =	swait.ge @!p0 [sflag:s8], $0x0  }
0x24: {  	s3 =	sadd.s32 $0x88, s3;
	s6 =	simm.s32 @!p1 $0x1082;
	[sflag:s4] =	ssyncset.s32 $0xFFFFF086  }
0x25: {  	[simem:s6], [sflag:s4] =	dma.local [hbm:s3], $0xF7A  }
0x26: {  	[smem:$0x3F9F] =	sst s1;
	(tag) =	ssettag s2;
	_ =	strace s9  }
0x27: {  	s1 =	sld [smem:$0x3FAF]  }
0x28: {  	s2 =	sld [smem:$0x3FB0]  }
0x29: {  	s4 =	sld [smem:$0x3FB2]  }
0x2a: {  	p0 =	seq.s32 s5, $0x0;
	s5 =	sld [smem:$0x3FB3]  }
0x2b: {  	s6 =	sld [smem:$0x3FB4]  }
0x2c: {  	s7 =	sld [smem:$0x3FB5]  }
0x2d: {  	s3 =	simm.s32 $0x108;
	s8 =	sld [smem:$0x3FB6]  }
0x2e: {  	s3 =	simm.s32 @!p0 $0x1082;
	s9 =	sld [smem:$0x3FB7]  }
0x2f: {  	lr =	sadd.s32 s0, s3;
	s0 =	sld [smem:$0x3FAE]  }
0x30: {  	s3 =	sld [smem:$0x3FB1]  }
0x31: {  	[smem:$0x3FBA] =	sst s10  }
0x32: {  	s10 =	sld [smem:$0x3FB8];
	_ =	sdelay $0x3  }
0x33: {  	p0 =	seq.s32 s10, $0x1;
	s10 =	sld [smem:$0x3FBA];
	_ =	sdelay $0x3  }
0x34: {  	[smem:$0x3FBA] =	sst s10  }
0x35: {  	s10 =	sld [smem:$0x3FB9];
	_ =	sdelay $0x3  }
0x36: {  	p1 =	seq.s32 s10, $0x1;
	s10 =	sld [smem:$0x3FBA];
	_ =	sdelay $0x3  }
0x37: {  	[smem:$0x3FBA] =	sst s10  }
0x38: {  	s10 =	sld [smem:$0x3FBB]  }
0x39: {  	_ = 	snop;
	(pc) =	sbr.ind lr, $3  }
0x3a: {  	_ = 	snop  }
0x3b: {  	_ = 	snop  }
0x3c: {  	p2 =	seq.s32 s10, $0x1;
	s10 =	sld [smem:$0x3FBA]  }
0x3d: {  	_ =	shalt  }
0x3e: {  	_ =	shalt  }
0x3f: {  	_ =	shalt  }
0x40: {  	_ =	shalt  }
0x41: {  	_ =	shalt  }
0x42: {  	_ =	shalt  }
0x43: {  	_ =	shalt  }
0x44: {  	_ =	shalt  }
0x45: {  	_ =	shalt  }
0x46: {  	_ =	shalt  }
0x47: {  	_ =	shalt  }
0x48: {  	_ =	shalt  }
0x49: {  	_ =	shalt  }
0x4a: {  	_ =	shalt  }
0x4b: {  	_ =	shalt  }
0x4c: {  	_ =	shalt  }
0x4d: {  	_ =	shalt  }
0x4e: {  	_ =	shalt  }
0x4f: {  	_ =	shalt  }
0x50: {  	_ =	shalt  }
0x51: {  	_ =	shalt  }
0x52: {  	_ =	shalt  }
0x53: {  	_ =	shalt  }
0x54: {  	_ =	shalt  }
0x55: {  	_ =	shalt  }
0x56: {  	_ =	shalt  }
0x57: {  	_ =	shalt  }
0x58: {  	_ =	shalt  }
0x59: {  	_ =	shalt  }
0x5a: {  	_ =	shalt  }
0x5b: {  	_ =	shalt  }
0x5c: {  	_ =	shalt  }
0x5d: {  	_ =	shalt  }
0x5e: {  	_ =	shalt  }
0x5f: {  	_ =	shalt  }
0x60: {  	_ =	shalt  }
0x61: {  	_ =	shalt  }
0x62: {  	_ =	shalt  }
0x63: {  	_ =	shalt  }
0x64: {  	_ =	shalt  }
0x65: {  	_ =	shalt  }
0x66: {  	_ =	shalt  }
0x67: {  	_ =	shalt  }
0x68: {  	_ =	shalt  }
0x69: {  	_ =	shalt  }
0x6a: {  	_ =	shalt  }
0x6b: {  	_ =	shalt  }
0x6c: {  	_ =	shalt  }
0x6d: {  	_ =	shalt  }
0x6e: {  	_ =	shalt  }
0x6f: {  	_ =	shalt  }
0x70: {  	_ =	shalt  }
0x71: {  	_ =	shalt  }
0x72: {  	_ =	shalt  }
0x73: {  	_ =	shalt  }
0x74: {  	_ =	shalt  }
0x75: {  	_ =	shalt  }
0x76: {  	_ =	shalt  }
0x77: {  	_ =	shalt  }
0x78: {  	_ =	shalt  }
0x79: {  	_ =	shalt  }
0x7a: {  	_ =	shalt  }
0x7b: {  	_ =	shalt  }
0x7c: {  	_ =	shalt  }
0x7d: {  	_ =	shalt  }
0x7e: {  	_ =	shalt  }
0x7f: {  	_ =	shalt  }
0x80: {  	_ =	shalt  }
0x81: {  	_ =	shalt  }
0x82: {  	_ =	shalt  }
0x83: {  	_ =	shalt  }
0x84: {  	_ =	shalt  }
0x85: {  	_ =	shalt  }
0x86: {  	_ =	shalt  }
0x87: {  	_ =	shalt  }
.Lfunc_end0:
.L_simem_size_0:
called_computation_lowered:
.L_overlay_start_0:
0x88: {  	s2 =	sld [smem:$0x3FD9]  }
0x89: {  	s3 =	sld [smem:$0x3FFE];
	_ =	sdelay $0x1  }
0x8a: {  	s1 =	srdreg.scid  }
0x8b: {  	s0 =	sand.u32 $0x1, s1  }
0x8c: {  	s17 =	sshll.u32 s0, $0xA;
	s2 =	sadd.s32 s3, s2  }
0x8d: {  	s2 =	sadd.s32 s2, s17  }
0x8e: {  	[smem:$0x3FC6] =	sst s2  }
0x8f: {  	_ = 	snop  }
0x90: {  	s2 =	sld [smem:$0x3FC9]  }
0x91: {  	s18 =	sld [smem:$0x3FD0];
	(tm) =	ssettm $0x1  }
0x92: {  	s4 =	sld [smem:$0x3FFB];
	_ =	sdelay $0x3  }
0x93: {  	_ =	strace s4  }
0x94: {  	s4 =	sld [smem:$0x3FFC];
	_ =	sdelay $0x3  }
0x95: {  	_ =	strace s4  }
0x96: {  	s4 =	sld [smem:$0x3FFD];
	_ =	sdelay $0x3  }
0x97: {  	_ =	strace s4  }
0x98: {  	_ =	strace $0x8FFFFFFF  }
0x99: {  	s19 =	sld [smem:$0x3FDB];
	_ =	sdelay $0x1  }
0x9a: {  	s5 =	simm.s32 $_scs_section_size  }
0x9b: {  	s6 =	simm.s32 $_size__tile_overlayer_lowered;
	s7 =	simm.s32 $_tile_overlayer_lowered  }
0x9c: {  	s22 =	simm.s32 $0x1BFF;
	s21 =	sshll.u32 s7, $0x1;
	s4 =	sadd.s32 s5, s19  }
0x9d: {  	s8 =	simm.s32 $0x0;
	s20 =	sshll.u32 s6, $0x1;
	s6 =	sadd.s32 s21, s4  }
0x9e: {  	[timem:s8], [sflag:s22] =	dma.local [hbm:s6], s20  }
0x9f: {  	_ =	swait.ge [sflag:s22], s20  }
0xa0: {  	s5 =	ssub.s32 $0x0, s20;
	[sflag:s22] =	ssyncset.done $0x0  }
0xa1: {  	[sflag:s22] =	ssyncadd.s32 s5;
	_ =	sdelay $0x1  }
0xa2: {  	s23 =	simm.s32 $0x1B8B  }
0xa3: {  	_ =	swait.ge [sflag:s23], $0x1  }
0xa4: {  	[sflag:s23] =	ssyncset.done $0x0  }
0xa5: {  	s25 =	simm.s32 $0x1B8E;
	s24 =	sld [smem:$0x3FFE];
	[sflag:s23] =	ssyncadd.s32 $0xFFFFFFFF  }
0xa6: {  	s26 =	simm.s32 $execute0_lowered;
	[smem:$0x3FD2] =	sst s25  }
0xa7: {  	s6 =	sshll.u32 s26, $0x1;
	_ =	strace $0x80000046;
	[dreg:$0x1] =	wrdreg $0xFFFFFFFF  }
0xa8: {  	s28 =	simm.s32 $_size_execute0_lowered;
	s4 =	sadd.s32 s4, s6;
	[dreg:$0x0] =	wrdreg $0x0  }
0xa9: {  	s6 =	sshll.u32 s28, $0x1;
	[dreg:$0x2] =	wrdreg s4  }
0xaa: {  	[dreg:$0x3] =	wrdreg s6  }
0xab: {  	[dreg:$0x4] =	wrdreg $0xC0  }
0xac: {  	_ =	task [dreg:s8], $0x5FFFF  }
0xad: {  	[dreg:$0x1] =	wrdreg $0xFFFFFFFF  }
0xae: {  	[dreg:$0x0] =	wrdreg $0x60  }
0xaf: {  	[dreg:$0x2] =	wrdreg s2  }
0xb0: {  	[dreg:$0x3] =	wrdreg s24  }
0xb1: {  	[dreg:$0x4] =	wrdreg s18  }
0xb2: {  	[dreg:$0x5] =	wrdreg $0x9  }
0xb3: {  	_ =	task.clear_ibuf [dreg:s8], $0x6FFFF;
	_ =	strace $0x90000046  }
0xb4: {  	s29 =	simm.s32 $0x9;
	_ =	strace $0x80000048  }
0xb5: {  	_ =	swait.ge [sflag:s29], $0x1  }
0xb6: {  	[sflag:s29] =	ssyncadd.s32 $0xFFFFFFFF  }
0xb7: {  	_ =	strace $0x90000048  }
0xb8: {  	_ =	sfence  }
0xb9: {  	s30 =	sld [smem:$0x0];
	_ =	sdelay $0x2  }
0xba: {  	s31 =	sshll.u32 s1, $0xD;
	s1 =	sshrl.u32 s1, $0x2  }
0xbb: {  	s3 =	sand.u32 $0x4000, s31;
	s1 =	sadd.s32 s1, s30  }
0xbc: {  	s0 =	sor.u32 s3, s0;
	s1 =	sshll.u32 s1, $0x11  }
0xbd: {  	s0 =	sor.u32 s1, s0  }
0xbe: {  	s0 =	sadd.s32 $0x8F2B, s0  }
0xbf: {  	[sflag:s0] =	ssyncadd.remote.s32 $0x1  }
0xc0: {  	_ =	sfence.sel $0xFFFF  }
0xc1: {  	[dreg:$0x0] =	wrdreg $0xFFFFFFFF;
	(pc) =	sbr.abs _section_cstart, $3  }
0xc2: {  	[dreg:$0x1] =	wrdreg $0xFFFFFFFF  }
0xc3: {  	_ =	task.clear_ibuf [dreg:s8], $0x2FFFF;
	_ =	strace $0x9FFFFFFF  }
0xc4: {  	(tm) =	ssettm $0x7FFFFFFF  }
0xc5: {  	_ =	shalt  }
tec
execute0_lowered:
.L_overlay_start_1:
0x0: {  	(tag) =	ssettag $0x1  }
0x1: {  	s1 =	rddreg [dreg:$0x0]  }
0x2: {  	s2 =	srdreg.scid;
	s7 =	rddreg [dreg:$0x1]  }
0x3: {  	s0 =	stileid.u32;
	s3 =	rddreg [dreg:$0x2];
	s4 =	simm.s32 $0x0  }
0x4: {  	s12 =	simm.s32 $0x5;
	s13 =	simm.s32 $0x1;
	s14 =	simm.s32 $0x2  }
0x5: {  	s15 =	simm.s32 $0x4;
	s16 =	simm.s32 $0x3;
	s17 =	simm.s32 $0x0  }
0x6: {  	s6 =	sand.u32 $0x1, s2;
	s5 =	sshll.u32 s0, $0x15;
	s2 =	rddreg [dreg:$0x3]  }
.Ltmp0:
0x7: {  	[smem:$0x7FF] =	sst s4;
	s8 =	sshll.u32 s6, $0x14;
	(pc) =	sbr.rel .LBB2_1-.Ltmp0, $4  }
0x8: {  	s7 =	sadd.s32 $0x400, s7;
	s30 =	ssub.s32 $0x2, s6;
	s5 =	sor.u32 s8, s5  }
0x9: {  	_ =	strace $0x80000047;
	s9 =	sshrl.u32 s30, $0x1;
	s31 =	sshrl.u32 s5, $0x3  }
0xa: {  	s11 =	ssub.s32 s30, s9;
	s9 =	sor.u32 $0x8000, s5;
	s6 =	sadd.s32 s1, s31  }
0xb: {  	v0 =	vimm.s32 $0x0;
	s10 =	sor.u32 $0xC000, s5;
	s11 =	smax.u32 s11, $0x1;
	s8 =	sadd.s32 $0x800, s6  }
.LBB2_34:
0xc: {  	s17 =	sadd.s32 $0x1, s17  }
0xd: {  	_ =	swait.ge [sflag:s16], $0x4000;
	p0 =	sne.s32 s17, s11  }
.Ltmp1:
0xe: {  	[sflag:s16] =	ssyncset.done $0x0;
	(pc) =	sbr.rel @!p0 .LBB2_35-.Ltmp1, $4  }
0xf: {  	[sflag:s16] =	ssyncadd.s32 $0xFFFFC000  }
0x10: {  	_ =	swait.ge [sflag:s15], $0x4000  }
0x11: {  	[sflag:s15] =	ssyncset.done $0x0  }
0x12: {  	[sflag:s15] =	ssyncadd.s32 $0xFFFFC000  }
.LBB2_1:
0x13: {  	[tilespmem:s4], [sflag:$0x5] =	stream.linear.gather [hbm4b:s7+s4], $0x380, $0x38;
	[tilespmem:$0x10400] =	vst v63  }
0x14: {  	_ =	swait.ge [sflag:s12], $0x380  }
0x15: {  	[sflag:s12] =	ssyncset.done $0x0  }
0x16: {  	[sflag:s12] =	ssyncadd.s32 $0xFFFFFC80  }
0x17: {  	v1 =	vld [tilespmem:$0x0]  }
0x18: {  	v2 =	vld [tilespmem:$0x80]  }
0x19: {  	v3 =	vld [tilespmem:$0x100]  }
0x1a: {  	v4 =	vld [tilespmem:$0x180]  }
0x1b: {  	v5 =	vld [tilespmem:$0x200]  }
0x1c: {  	s18 =	simm.s32 $0x400;
	v6 =	vld [tilespmem:$0x280]  }
0x1d: {  	s19 =	simm.s32 $0x10;
	s21 =	sadd.s32 $0x0, s6;
	s20 =	simm.s32 $0x500;
	v7 =	vld [tilespmem:$0x300]  }
.LBB2_2:
0x1e: {  	[tilespmem:s18], [sflag:$0x1] =	stream.linear.gather [hbm4b:s21+s4], $0x80, $0x38;
	[tilespmem:$0x10400] =	vst v63  }
0x1f: {  	s21 =	smov.u32 s19;
	s18 =	smov.u32 s20;
	p0 =	sne.s32 s19, $0x7F0  }
.Ltmp2:
0x20: {  	s19 =	sadd.s32 $0x10, s19;
	(pc) =	sbr.rel @p0 .LBB2_2-.Ltmp2, $2  }
0x21: {  	_ =	sdelay $0x2  }
0x22: {  	s20 =	sadd.s32 $0x100, s20;
	s21 =	sadd.s32 s21, s6  }
0x23: {  	[tilespmem:s18], [sflag:$0x1] =	stream.linear.gather [hbm4b:s21+s4], $0x80, $0x38;
	[tilespmem:$0x10400] =	vst v63  }
0x24: {  	s18 =	simm.s32 $0x480  }
0x25: {  	s19 =	simm.s32 $0x10;
	s21 =	sadd.s32 $0x0, s8;
	s20 =	simm.s32 $0x580  }
.LBB2_4:
0x26: {  	[tilespmem:s18], [sflag:$0x2] =	stream.linear.gather [hbm4b:s21+s4], $0x80, $0x38;
	[tilespmem:$0x10400] =	vst v63  }
0x27: {  	s21 =	smov.u32 s19;
	s18 =	smov.u32 s20;
	p0 =	sne.s32 s19, $0x7F0  }
.Ltmp3:
0x28: {  	s19 =	sadd.s32 $0x10, s19;
	(pc) =	sbr.rel @p0 .LBB2_4-.Ltmp3, $2  }
0x29: {  	_ =	sdelay $0x2  }
0x2a: {  	s20 =	sadd.s32 $0x100, s20;
	s21 =	sadd.s32 s21, s8  }
0x2b: {  	(v2sf) =	vpush v1, $0x0  }
0x2c: {  	(v2sf) =	vpush v7, $0x0;
	_ =	sdelay $0xc  }
0x2d: {  	[tilespmem:s18], [sflag:$0x2] =	stream.linear.gather [hbm4b:s21+s4], $0x80, $0x38;
	[tilespmem:$0x10400] =	vst v63  }
0x2e: {  	s19 =	spop (v2sf)  }
0x2f: {  	s20 =	spop (v2sf)  }
0x30: {  	s18 =	simm.s32 $0x0;
	p0 =	sne.f32 s19, s20  }
.LBB2_6:
0x31: {  	_ =	swait.ge [sflag:s13], $0x4000  }
.Ltmp4:
0x32: {  	p1 =	seq.s32 s18, $0x0;
	[sflag:s13] =	ssyncset.done $0x0;
	(pc) =	sbr.rel @p0 .LBB2_10-.Ltmp4, $4  }
0x33: {  	s19 =	simm.s32 @!p1 $0x3;
	[sflag:s13] =	ssyncadd.s32 $0xFFFFC000  }
0x34: {  	_ =	swait.ge @!p1 [sflag:s19], $0x4000  }
0x35: {  	s20 =	simm.s32 $0xFFFFFF80;
	[sflag:s19] =	ssyncset.done @!p1 $0x0  }
0x36: {  	s21 =	simm.s32 $0x440;
	[sflag:s19] =	ssyncadd.s32 @!p1 $0xFFFFC000;
	s19 =	simm.s32 $0x8440  }
0x37: {  	v9 =	vld [tilespmem:s21+$0x30]  }
0x38: {  	v12 =	vld [tilespmem:s21+$0xFFFFFFD0]  }
0x39: {  	v14 =	vld [tilespmem:s21+$0xFFFFFFE0]  }
0x3a: {  	v11 =	vld [tilespmem:s21+$0xFFFFFFF0]  }
0x3b: {  	v10 =	vld [tilespmem:s21+$0x0]  }
0x3c: {  	v8 =	vld [tilespmem:s21+$0x10];
	vm0 =	vlt.f32 v1, v9  }
0x3d: {  	vm1 =	vlt.f32 v1, v12;
	v9 =	vld [tilespmem:s21+$0x20];
	v15 =	vsel vm0, $0x7, v0  }
0x3e: {  	s20 =	sadd.s32 $0x80, s20;
	v12 =	vld [tilespmem:s21+$0xFFFFFFC0];
	s21 =	sadd.s32 $0x100, s21;
	v13 =	vsel vm1, $0x7, v0;
	vm0 =	vlt.f32 v1, v14;
	[tilespmem:s19+$0x30] =	vst v15  }
.LBB2_8:
0x3f: {  	v14 =	vld [tilespmem:s21+$0x30];
	s20 =	sadd.s32 $0x80, s20;
	[tilespmem:s19+$0xFFFFFFD0] =	vst v13;
	v13 =	vsel vm0, $0x7, v0;
	vm0 =	vlt.f32 v1, v11  }
0x40: {  	v15 =	vld [tilespmem:s21+$0xFFFFFFD0];
	p2 =	slt.u32 s20, $0x3F80;
	[tilespmem:s19+$0xFFFFFFE0] =	vst v13;
	v11 =	vsel vm0, $0x7, v0;
	vm0 =	vlt.f32 v1, v10  }
0x41: {  	v16 =	vld [tilespmem:s21+$0xFFFFFFE0];
	[tilespmem:s19+$0xFFFFFFF0] =	vst v11;
	v10 =	vsel vm0, $0x7, v0;
	vm0 =	vlt.f32 v1, v8  }
.Ltmp5:
0x42: {  	v11 =	vld [tilespmem:s21+$0xFFFFFFF0];
	[tilespmem:s19+$0x0] =	vst v10;
	v8 =	vsel vm0, $0x7, v0;
	vm0 =	vlt.f32 v1, v9;
	(pc) =	sbr.rel @p2 .LBB2_8-.Ltmp5, $4  }
0x43: {  	v10 =	vld [tilespmem:s21+$0x0];
	vm1 =	vlt.f32 v1, v12;
	[tilespmem:s19+$0x10] =	vst v8;
	v9 =	vsel vm0, $0x7, v0  }
0x44: {  	v8 =	vld [tilespmem:s21+$0x10];
	vm0 =	vlt.f32 v1, v14;
	v12 =	vsel vm1, $0x7, v0;
	[tilespmem:s19+$0x20] =	vst v9  }
0x45: {  	vm1 =	vlt.f32 v1, v15;
	v9 =	vld [tilespmem:s21+$0x20];
	v14 =	vsel vm0, $0x7, v0;
	[tilespmem:s19+$0xFFFFFFC0] =	vst v12;
	s19 =	sadd.s32 $0x100, s19  }
0x46: {  	v12 =	vld [tilespmem:s21+$0xFFFFFFC0];
	v13 =	vsel vm1, $0x7, v0;
	vm0 =	vlt.f32 v1, v16;
	[tilespmem:s19+$0x30] =	vst v14;
	s21 =	sadd.s32 $0x100, s21  }
0x47: {  	[tilespmem:s19+$0xFFFFFFD0] =	vst v13;
	v62 =	vsel vm0, $0x7, v0;
	vm12 =	vlt.f32 v1, v11  }
0x48: {  	[tilespmem:s19+$0xFFFFFFE0] =	vst v62;
	v11 =	vsel vm12, $0x7, v0;
	vm13 =	vlt.f32 v1, v10  }
.Ltmp6:
0x49: {  	[tilespmem:s19+$0xFFFFFFF0] =	vst v11;
	v10 =	vsel vm13, $0x7, v0;
	vm14 =	vlt.f32 v1, v8;
	(pc) =	sbr.rel .LBB2_13-.Ltmp6, $4  }
0x4a: {  	[tilespmem:s19+$0x0] =	vst v10;
	v8 =	vsel vm14, $0x7, v0;
	vm15 =	vlt.f32 v1, v9  }
0x4b: {  	vm1 =	vlt.f32 v1, v12;
	[tilespmem:s19+$0x10] =	vst v8;
	v8 =	vsel vm15, $0x7, v0  }
0x4c: {  	v63 =	vsel vm1, $0x7, v0;
	[tilespmem:s19+$0x20] =	vst v8  }
0x4d: {  	[tilespmem:s19+$0xFFFFFFC0] =	vst v63  }
.LBB2_10:
0x4e: {  	v8 =	vld [tilespmem:s21+$0x30]  }
0x4f: {  	v16 =	vld [tilespmem:s21+$0xFFFFFFD0]  }
0x50: {  	v22 =	vld [tilespmem:s21+$0xFFFFFFE0]  }
0x51: {  	v23 =	vld [tilespmem:s21+$0xFFFFFFF0]  }
0x52: {  	v25 =	vld [tilespmem:s21+$0x0]  }
0x53: {  	v17 =	vld [tilespmem:s21+$0xFFFFFFC0];
	_ =	sdelay $0x3  }
0x54: {  	v26 =	vld [tilespmem:s21+$0x10];
	vm4 =	vlt.f32 v4, v8;
	vm0 =	vlt.f32 v4, v16;
	vm1 =	vlt.f32 v4, v22  }
0x55: {  	vm2 =	vlt.f32 v4, v23;
	vm3 =	vlt.f32 v4, v25;
	vm7 =	vlt.f32 v4, v17  }
0x56: {  	v9 =	vsel vm4, v6, v2;
	v10 =	vsel vm0, v6, v2;
	v12 =	vsel vm1, v6, v2  }
0x57: {  	v24 =	vsel vm4, $0x4, v0;
	v21 =	vsel vm0, $0x4, v0;
	vm5 =	vlt.f32 v9, v8  }
0x58: {  	v9 =	vsel vm5, v7, v5;
	v11 =	vsel vm5, v3, v1;
	v27 =	vsel vm5, $0x2, v0  }
0x59: {  	v9 =	vsel vm4, v9, v11;
	vm4 =	vlt.f32 v4, v26;
	v11 =	vsel vm2, v6, v2  }
0x5a: {  	vm6 =	vlt.f32 v9, v8;
	v8 =	vsel vm7, v6, v2;
	v15 =	vsel vm4, v6, v2  }
0x5b: {  	v28 =	vld [tilespmem:s21+$0x20];
	v29 =	vsel vm6, $0x1, v0;
	vm5 =	vlt.f32 v8, v17;
	vm6 =	vlt.f32 v10, v16  }
0x5c: {  	v13 =	vsel vm5, v7, v5;
	v14 =	vsel vm5, v3, v1;
	v8 =	vsel vm5, $0x2, v0  }
0x5d: {  	vm5 =	vlt.f32 v12, v22;
	v18 =	vsel vm6, v7, v5;
	v19 =	vsel vm6, v3, v1  }
0x5e: {  	v9 =	vsel vm6, $0x2, v0;
	vm6 =	vlt.f32 v11, v23;
	v12 =	vsel vm3, v6, v2  }
0x5f: {  	v20 =	vsel vm5, v7, v5;
	v30 =	vsel vm5, v3, v1;
	v10 =	vsel vm5, $0x2, v0  }
0x60: {  	vm5 =	vlt.f32 v4, v28;
	v31 =	vsel vm6, v7, v5;
	v32 =	vsel vm6, v3, v1  }
0x61: {  	v11 =	vsel vm6, $0x2, v0;
	vm6 =	vlt.f32 v12, v25;
	v35 =	vsel vm7, v13, v14  }
0x62: {  	v40 =	vsel vm0, v18, v19;
	v18 =	vsel vm2, $0x4, v0;
	v19 =	vsel vm3, $0x4, v0  }
0x63: {  	v33 =	vsel vm6, v7, v5;
	v34 =	vsel vm6, v3, v1;
	v12 =	vsel vm6, $0x2, v0  }
0x64: {  	vm6 =	vlt.f32 v15, v26;
	v15 =	vsel vm7, $0x4, v0;
	v14 =	vsel vm5, v6, v2  }
0x65: {  	v30 =	vsel vm1, v20, v30;
	v20 =	vsel vm1, $0x4, v0;
	v31 =	vsel vm2, v31, v32  }
0x66: {  	vm13 =	vlt.f32 v35, v17;
	vm14 =	vlt.f32 v40, v16;
	v17 =	vsel vm4, $0x4, v0  }
0x67: {  	v16 =	vsel vm5, $0x4, v0;
	v36 =	vsel vm6, v7, v5;
	v37 =	vsel vm6, v3, v1  }
0x68: {  	v13 =	vsel vm6, $0x2, v0;
	vm6 =	vlt.f32 v14, v28;
	v61 =	vsel vm3, v33, v34  }
0x69: {  	vm15 =	vlt.f32 v30, v22;
	vm9 =	vlt.f32 v31, v23;
	v22 =	vor.u32 v24, v27  }
0x6a: {  	v24 =	vsel vm13, $0x1, v0;
	v38 =	vsel vm6, v7, v5;
	v39 =	vsel vm6, v3, v1  }
0x6b: {  	v14 =	vsel vm6, $0x2, v0;
	v62 =	vsel vm4, v36, v37;
	vm8 =	vlt.f32 v61, v25  }
0x6c: {  	v23 =	vor.u32 v29, v22;
	v22 =	vsel vm14, $0x1, v0;
	v63 =	vsel vm5, v38, v39  }
0x6d: {  	s20 =	sadd.s32 $0x80, s20;
	s21 =	sadd.s32 $0x100, s21;
	[tilespmem:s19+$0x30] =	vst v23;
	vm10 =	vlt.f32 v62, v26;
	v23 =	vsel vm15, $0x1, v0;
	vm7 =	vlt.f32 v63, v28  }
.LBB2_11:
0x6e: {  	v25 =	vld [tilespmem:s21+$0x30]  }
0x6f: {  	v29 =	vld [tilespmem:s21+$0xFFFFFFD0]  }
0x70: {  	v26 =	vsel vm9, $0x1, v0;
	v27 =	vsel vm8, $0x1, v0;
	v9 =	vor.u32 v21, v9;
	v21 =	vld [tilespmem:s21+$0xFFFFFFE0]  }
0x71: {  	v28 =	vsel vm10, $0x1, v0;
	v8 =	vor.u32 v15, v8;
	v11 =	vor.u32 v18, v11;
	v18 =	vld [tilespmem:s21+$0xFFFFFFF0]  }
0x72: {  	v15 =	vsel vm7, $0x1, v0;
	v14 =	vor.u32 v16, v14;
	v16 =	vld [tilespmem:s21+$0x0];
	v8 =	vor.u32 v24, v8  }
0x73: {  	v10 =	vor.u32 v20, v10;
	v12 =	vor.u32 v19, v12;
	[tilespmem:s19+$0xFFFFFFC0] =	vst v8;
	v8 =	vor.u32 v22, v9  }
0x74: {  	v13 =	vor.u32 v17, v13;
	v9 =	vor.u32 v23, v10;
	v10 =	vor.u32 v26, v11;
	v11 =	vld [tilespmem:s21+$0x10];
	[tilespmem:s19+$0xFFFFFFD0] =	vst v8  }
0x75: {  	v8 =	vor.u32 v27, v12;
	v12 =	vor.u32 v28, v13;
	[tilespmem:s19+$0xFFFFFFE0] =	vst v9;
	v9 =	vor.u32 v15, v14  }
0x76: {  	v14 =	vld [tilespmem:s21+$0xFFFFFFC0];
	vm0 =	vlt.f32 v4, v25;
	vm2 =	vlt.f32 v4, v29;
	vm8 =	vlt.f32 v4, v21  }
0x77: {  	vm3 =	vlt.f32 v4, v18;
	vm7 =	vlt.f32 v4, v16;
	v17 =	vsel vm0, v6, v2  }
0x78: {  	[tilespmem:s19+$0x0] =	vst v8;
	v15 =	vsel vm2, v6, v2;
	v8 =	vsel vm8, v6, v2;
	vm1 =	vmmov vm3  }
0x79: {  	[tilespmem:s19+$0xFFFFFFF0] =	vst v10;
	vm4 =	vlt.f32 v17, v25;
	vm10 =	vlt.f32 v4, v11;
	vm13 =	vlt.f32 v8, v21  }
0x7a: {  	v13 =	vld [tilespmem:s21+$0x20];
	[tilespmem:s19+$0x10] =	vst v12;
	v10 =	vsel vm4, v7, v5;
	v17 =	vsel vm4, v3, v1;
	v12 =	vsel vm4, $0x2, v0  }
0x7b: {  	vm6 =	vlt.f32 v4, v14;
	vm4 =	vmmov vm7;
	v10 =	vsel vm0, v10, v17  }
0x7c: {  	v17 =	vsel vm7, v6, v2;
	vm5 =	vlt.f32 v10, v25;
	v10 =	vsel vm0, $0x4, v0  }
0x7d: {  	vm0 =	vlt.f32 v15, v29;
	vm15 =	vlt.f32 v17, v16;
	v15 =	vsel vm13, v7, v5  }
0x7e: {  	[tilespmem:s19+$0x20] =	vst v9;
	v17 =	vsel vm13, v3, v1;
	v9 =	vor.u32 v10, v12;
	v10 =	vsel vm5, $0x1, v0  }
0x7f: {  	vm5 =	vlt.f32 v4, v13;
	v12 =	vsel vm3, v6, v2;
	v22 =	vsel vm15, v7, v5  }
0x80: {  	v23 =	vsel vm15, v3, v1;
	v9 =	vor.u32 v10, v9;
	v10 =	vsel vm6, v6, v2  }
0x81: {  	s19 =	sadd.s32 $0x100, s19;
	vm14 =	vlt.f32 v12, v18;
	vm7 =	vlt.f32 v10, v14;
	v10 =	vimm.s32 $0x0  }
0x82: {  	v12 =	vsel vm0, v3, v1;
	[tilespmem:s19+$0x30] =	vst v9;
	v9 =	vsel vm10, v6, v2;
	v10 =	vsel vm10, $0xFFFFFFFF, v10  }
0x83: {  	vm11 =	vlt.f32 v9, v11;
	v8 =	vsel vm7, v7, v5;
	[tilespmem:$0x1FFC0] =	vst v10;
	v10 =	vsel vm5, v6, v2  }
0x84: {  	v9 =	vsel vm7, v3, v1;
	vm12 =	vlt.f32 v10, v13;
	v10 =	vsel vm0, v7, v5  }
0x85: {  	vm3 =	vmmov vm8;
	v8 =	vsel vm6, v8, v9;
	v10 =	vsel vm2, v10, v12  }
0x86: {  	v12 =	vsel vm8, v15, v17;
	vm8 =	vlt.f32 v8, v14;
	v8 =	vimm.s32 $0x0  }
0x87: {  	v19 =	vsel vm14, v7, v5;
	v20 =	vsel vm14, v3, v1;
	v8 =	vsel vm8, $0xFFFFFFFF, v8  }
0x88: {  	v24 =	vsel vm11, v7, v5;
	vm8 =	vlt.f32 v10, v29;
	[tilespmem:$0x1FFD0] =	vst v8;
	v8 =	vimm.s32 $0x0  }
0x89: {  	v25 =	vsel vm11, v3, v1;
	v17 =	vsel vm4, v22, v23;
	v8 =	vsel vm8, $0xFFFFFFFF, v8;
	v22 =	vld [tilespmem:$0x1FFD0]  }
0x8a: {  	v9 =	vsel vm12, v7, v5;
	vm8 =	vlt.f32 v12, v21;
	[tilespmem:$0x1FFE0] =	vst v8;
	v8 =	vimm.s32 $0x0  }
0x8b: {  	v26 =	vsel vm12, v3, v1;
	v15 =	vsel vm1, v19, v20;
	v8 =	vsel vm8, $0xFFFFFFFF, v8  }
0x8c: {  	v19 =	vsel vm10, v24, v25;
	v14 =	vsel vm12, $0x2, v0;
	vm8 =	vlt.f32 v17, v16;
	v16 =	vld [tilespmem:$0x1FFC0];
	[tilespmem:$0x1FFF0] =	vst v8  }
0x8d: {  	v20 =	vsel vm5, v9, v26;
	vm9 =	vlt.f32 v15, v18;
	vm10 =	vlt.f32 v19, v11;
	v23 =	vld [tilespmem:$0x1FFF0]  }
0x8e: {  	s20 =	sadd.s32 $0x80, s20;
	v9 =	vsel vm0, $0x2, v0;
	v10 =	vsel vm13, $0x2, v0;
	vm13 =	vnez.u8 v22;
	v22 =	vld [tilespmem:$0x1FFE0]  }
0x8f: {  	p2 =	slt.u32 s20, $0x3F80;
	v11 =	vsel vm14, $0x2, v0;
	v15 =	vsel vm6, $0x4, v0;
	v18 =	vsel vm1, $0x4, v0  }
.Ltmp7:
0x90: {  	v19 =	vsel vm4, $0x4, v0;
	v12 =	vsel vm15, $0x2, v0;
	v21 =	vsel vm2, $0x4, v0;
	(pc) =	sbr.rel @p2 .LBB2_11-.Ltmp7, $4  }
0x91: {  	v8 =	vsel vm7, $0x2, v0;
	vm7 =	vlt.f32 v20, v13;
	v13 =	vsel vm11, $0x2, v0  }
0x92: {  	v20 =	vsel vm3, $0x4, v0;
	v24 =	vsel vm13, $0x1, v0;
	vm12 =	vnez.u8 v16  }
0x93: {  	v16 =	vsel vm5, $0x4, v0;
	vm15 =	vnez.u8 v23;
	vm14 =	vnez.u8 v22  }
0x94: {  	s21 =	sadd.s32 $0x100, s21;
	v17 =	vsel vm12, $0x4, v0;
	v23 =	vsel vm15, $0x1, v0;
	v22 =	vsel vm14, $0x1, v0  }
0x95: {  	v8 =	vor.u32 v15, v8  }
0x96: {  	v10 =	vor.u32 v20, v10;
	v8 =	vor.u32 v24, v8  }
0x97: {  	v9 =	vor.u32 v21, v9;
	v10 =	vor.u32 v23, v10;
	[tilespmem:s19+$0xFFFFFFC0] =	vst v8  }
0x98: {  	v59 =	vsel vm9, $0x1, v0;
	v11 =	vor.u32 v18, v11;
	v8 =	vor.u32 v22, v9;
	[tilespmem:s19+$0xFFFFFFE0] =	vst v10  }
0x99: {  	v60 =	vsel vm10, $0x1, v0;
	v61 =	vor.u32 v17, v13;
	v9 =	vor.u32 v59, v11;
	[tilespmem:s19+$0xFFFFFFD0] =	vst v8  }
0x9a: {  	v12 =	vor.u32 v19, v12;
	v10 =	vor.u32 v60, v61;
	v8 =	vsel vm8, $0x1, v0;
	[tilespmem:s19+$0xFFFFFFF0] =	vst v9  }
0x9b: {  	v62 =	vsel vm7, $0x1, v0;
	v63 =	vor.u32 v16, v14;
	[tilespmem:s19+$0x10] =	vst v10;
	v8 =	vor.u32 v8, v12  }
0x9c: {  	[tilespmem:s19+$0x0] =	vst v8;
	v8 =	vor.u32 v62, v63  }
0x9d: {  	[tilespmem:s19+$0x20] =	vst v8  }
.LBB2_13:
0x9e: {  	s19 =	sshll.u32 s18, $0xF  }
0x9f: {  	s20 =	sor.u32 s5, s19  }
0xa0: {  	s20 =	sshrl.u32 s20, $0x3  }
0xa1: {  	s22 =	simm.s32 $0x8400;
	s21 =	sadd.s32 s3, s20  }
0xa2: {  	s23 =	simm.s32 $0x10;
	s24 =	simm.s32 $0x8500;
	s25 =	sadd.s32 $0x0, s21  }
.LBB2_14:
0xa3: {  	[hbm4b:s25+s4] =	stream.linear.scatter [tilespmem:s22], [sflag:$0x3], $0x80, $0x38;
	[tilespmem:$0x10400] =	vst v63  }
0xa4: {  	s25 =	smov.u32 s23;
	s22 =	smov.u32 s24;
	p2 =	sne.s32 s23, $0x7F0  }
.Ltmp8:
0xa5: {  	s23 =	sadd.s32 $0x10, s23;
	(pc) =	sbr.rel @p2 .LBB2_14-.Ltmp8, $2  }
0xa6: {  	_ =	sdelay $0x2  }
0xa7: {  	s24 =	sadd.s32 $0x100, s24;
	s25 =	sadd.s32 s25, s21  }
0xa8: {  	p2 =	sne.s32 s18, $0x1F  }
.Ltmp9:
0xa9: {  	_ = 	snop;
	(pc) =	sbr.rel @p2 .LBB2_17-.Ltmp9, $2  }
0xaa: {  	_ =	sdelay $0x2  }
0xab: {  	[hbm4b:s25+s4] =	stream.linear.scatter [tilespmem:s22], [sflag:$0x3], $0x80, $0x38;
	[tilespmem:$0x10400] =	vst v63  }
.Ltmp10:
0xac: {  	(pc) =	sbr.rel .LBB2_20-.Ltmp10, $4  }
0xad: {  	_ = 	snop  }
0xae: {  	_ =	swait.ge [sflag:s14], $0x4000  }
0xaf: {  	[sflag:s14] =	ssyncset.done $0x0  }
0xb0: {  	[sflag:s14] =	ssyncadd.s32 $0xFFFFC000  }
.LBB2_17:
0xb1: {  	s21 =	sadd.s32 s19, s9  }
0xb2: {  	s21 =	sshrl.u32 s21, $0x3  }
0xb3: {  	s22 =	simm.s32 $0x400;
	s21 =	sadd.s32 s1, s21  }
0xb4: {  	s23 =	simm.s32 $0x10;
	s24 =	simm.s32 $0x500;
	s25 =	sadd.s32 $0x0, s21  }
.LBB2_18:
0xb5: {  	[tilespmem:s22], [sflag:$0x1] =	stream.linear.gather [hbm4b:s25+s4], $0x80, $0x38;
	[tilespmem:$0x10400] =	vst v63  }
0xb6: {  	s25 =	smov.u32 s23;
	s22 =	smov.u32 s24;
	p2 =	sne.s32 s23, $0x7F0  }
.Ltmp11:
0xb7: {  	s23 =	sadd.s32 $0x10, s23;
	(pc) =	sbr.rel @p2 .LBB2_18-.Ltmp11, $2  }
0xb8: {  	_ =	sdelay $0x2  }
0xb9: {  	s24 =	sadd.s32 $0x100, s24;
	s25 =	sadd.s32 s25, s21  }
.Ltmp12:
0xba: {  	(pc) =	sbr.rel @p1 .LBB2_21-.Ltmp12, $4  }
0xbb: {  	[tilespmem:s22], [sflag:$0x1] =	stream.linear.gather [hbm4b:s25+s4], $0x80, $0x38;
	[tilespmem:$0x10400] =	vst v63  }
0xbc: {  	_ =	swait.ge [sflag:s14], $0x4000  }
0xbd: {  	[sflag:s14] =	ssyncset.done $0x0  }
0xbe: {  	[sflag:s14] =	ssyncadd.s32 $0xFFFFC000  }
.LBB2_20:
0xbf: {  	_ =	swait.ge [sflag:s15], $0x4000  }
0xc0: {  	[sflag:s15] =	ssyncset.done $0x0  }
0xc1: {  	[sflag:s15] =	ssyncadd.s32 $0xFFFFC000  }
.LBB2_21:
.Ltmp13:
0xc2: {  	(pc) =	sbr.rel @p0 .LBB2_25-.Ltmp13, $2  }
0xc3: {  	_ =	sdelay $0x2  }
0xc4: {  	s22 =	simm.s32 $0xFFFFFF80;
	s21 =	simm.s32 $0x84F0;
	s23 =	simm.s32 $0x4F0  }
0xc5: {  	v9 =	vld [tilespmem:s23+$0x0]  }
0xc6: {  	v12 =	vld [tilespmem:s23+$0xFFFFFFA0]  }
0xc7: {  	v14 =	vld [tilespmem:s23+$0xFFFFFFB0]  }
0xc8: {  	v11 =	vld [tilespmem:s23+$0xFFFFFFC0]  }
0xc9: {  	v10 =	vld [tilespmem:s23+$0xFFFFFFD0]  }
0xca: {  	v8 =	vld [tilespmem:s23+$0xFFFFFFE0];
	vm0 =	vlt.f32 v1, v9  }
0xcb: {  	vm1 =	vlt.f32 v1, v12;
	v9 =	vld [tilespmem:s23+$0xFFFFFFF0];
	v15 =	vsel vm0, $0x7, v0  }
0xcc: {  	s22 =	sadd.s32 $0x80, s22;
	v12 =	vld [tilespmem:s23+$0xFFFFFF90];
	s23 =	sadd.s32 $0x100, s23;
	v13 =	vsel vm1, $0x7, v0;
	vm0 =	vlt.f32 v1, v14;
	[tilespmem:s21+$0x0] =	vst v15  }
.LBB2_23:
0xcd: {  	v14 =	vld [tilespmem:s23+$0x0];
	s22 =	sadd.s32 $0x80, s22;
	[tilespmem:s21+$0xFFFFFFA0] =	vst v13;
	v13 =	vsel vm0, $0x7, v0;
	vm0 =	vlt.f32 v1, v11  }
0xce: {  	v15 =	vld [tilespmem:s23+$0xFFFFFFA0];
	p1 =	slt.u32 s22, $0x3F80;
	[tilespmem:s21+$0xFFFFFFB0] =	vst v13;
	v11 =	vsel vm0, $0x7, v0;
	vm0 =	vlt.f32 v1, v10  }
0xcf: {  	v16 =	vld [tilespmem:s23+$0xFFFFFFB0];
	[tilespmem:s21+$0xFFFFFFC0] =	vst v11;
	v10 =	vsel vm0, $0x7, v0;
	vm0 =	vlt.f32 v1, v8  }
.Ltmp14:
0xd0: {  	v11 =	vld [tilespmem:s23+$0xFFFFFFC0];
	[tilespmem:s21+$0xFFFFFFD0] =	vst v10;
	v8 =	vsel vm0, $0x7, v0;
	vm0 =	vlt.f32 v1, v9;
	(pc) =	sbr.rel @p1 .LBB2_23-.Ltmp14, $4  }
0xd1: {  	v10 =	vld [tilespmem:s23+$0xFFFFFFD0];
	vm1 =	vlt.f32 v1, v12;
	[tilespmem:s21+$0xFFFFFFE0] =	vst v8;
	v9 =	vsel vm0, $0x7, v0  }
0xd2: {  	v8 =	vld [tilespmem:s23+$0xFFFFFFE0];
	vm0 =	vlt.f32 v1, v14;
	v12 =	vsel vm1, $0x7, v0;
	[tilespmem:s21+$0xFFFFFFF0] =	vst v9  }
0xd3: {  	vm1 =	vlt.f32 v1, v15;
	v9 =	vld [tilespmem:s23+$0xFFFFFFF0];
	v14 =	vsel vm0, $0x7, v0;
	[tilespmem:s21+$0xFFFFFF90] =	vst v12;
	s21 =	sadd.s32 $0x100, s21  }
0xd4: {  	v12 =	vld [tilespmem:s23+$0xFFFFFF90];
	v13 =	vsel vm1, $0x7, v0;
	vm0 =	vlt.f32 v1, v16;
	[tilespmem:s21+$0x0] =	vst v14;
	s23 =	sadd.s32 $0x100, s23  }
0xd5: {  	[tilespmem:s21+$0xFFFFFFA0] =	vst v13;
	v62 =	vsel vm0, $0x7, v0;
	vm12 =	vlt.f32 v1, v11  }
0xd6: {  	[tilespmem:s21+$0xFFFFFFB0] =	vst v62;
	v11 =	vsel vm12, $0x7, v0;
	vm13 =	vlt.f32 v1, v10  }
.Ltmp15:
0xd7: {  	[tilespmem:s21+$0xFFFFFFC0] =	vst v11;
	v10 =	vsel vm13, $0x7, v0;
	vm14 =	vlt.f32 v1, v8;
	(pc) =	sbr.rel .LBB2_28-.Ltmp15, $4  }
0xd8: {  	[tilespmem:s21+$0xFFFFFFD0] =	vst v10;
	v8 =	vsel vm14, $0x7, v0;
	vm15 =	vlt.f32 v1, v9  }
0xd9: {  	vm1 =	vlt.f32 v1, v12;
	[tilespmem:s21+$0xFFFFFFE0] =	vst v8;
	v8 =	vsel vm15, $0x7, v0  }
0xda: {  	v63 =	vsel vm1, $0x7, v0;
	[tilespmem:s21+$0xFFFFFFF0] =	vst v8  }
0xdb: {  	[tilespmem:s21+$0xFFFFFF90] =	vst v63  }
.LBB2_25:
0xdc: {  	v8 =	vld [tilespmem:s23+$0x0]  }
0xdd: {  	v16 =	vld [tilespmem:s23+$0xFFFFFFA0]  }
0xde: {  	v22 =	vld [tilespmem:s23+$0xFFFFFFB0]  }
0xdf: {  	v23 =	vld [tilespmem:s23+$0xFFFFFFC0]  }
0xe0: {  	v25 =	vld [tilespmem:s23+$0xFFFFFFD0]  }
0xe1: {  	v17 =	vld [tilespmem:s23+$0xFFFFFF90];
	_ =	sdelay $0x3  }
0xe2: {  	v26 =	vld [tilespmem:s23+$0xFFFFFFE0];
	vm4 =	vlt.f32 v4, v8;
	vm0 =	vlt.f32 v4, v16;
	vm1 =	vlt.f32 v4, v22  }
0xe3: {  	vm2 =	vlt.f32 v4, v23;
	vm3 =	vlt.f32 v4, v25;
	vm7 =	vlt.f32 v4, v17  }
0xe4: {  	v9 =	vsel vm4, v6, v2;
	v10 =	vsel vm0, v6, v2;
	v12 =	vsel vm1, v6, v2  }
0xe5: {  	v24 =	vsel vm4, $0x4, v0;
	v21 =	vsel vm0, $0x4, v0;
	vm5 =	vlt.f32 v9, v8  }
0xe6: {  	v9 =	vsel vm5, v7, v5;
	v11 =	vsel vm5, v3, v1;
	v27 =	vsel vm5, $0x2, v0  }
0xe7: {  	v9 =	vsel vm4, v9, v11;
	vm4 =	vlt.f32 v4, v26;
	v11 =	vsel vm2, v6, v2  }
0xe8: {  	vm6 =	vlt.f32 v9, v8;
	v8 =	vsel vm7, v6, v2;
	v15 =	vsel vm4, v6, v2  }
0xe9: {  	v28 =	vld [tilespmem:s23+$0xFFFFFFF0];
	v29 =	vsel vm6, $0x1, v0;
	vm5 =	vlt.f32 v8, v17;
	vm6 =	vlt.f32 v10, v16  }
0xea: {  	v13 =	vsel vm5, v7, v5;
	v14 =	vsel vm5, v3, v1;
	v8 =	vsel vm5, $0x2, v0  }
0xeb: {  	vm5 =	vlt.f32 v12, v22;
	v18 =	vsel vm6, v7, v5;
	v19 =	vsel vm6, v3, v1  }
0xec: {  	v9 =	vsel vm6, $0x2, v0;
	vm6 =	vlt.f32 v11, v23;
	v12 =	vsel vm3, v6, v2  }
0xed: {  	v20 =	vsel vm5, v7, v5;
	v30 =	vsel vm5, v3, v1;
	v10 =	vsel vm5, $0x2, v0  }
0xee: {  	vm5 =	vlt.f32 v4, v28;
	v31 =	vsel vm6, v7, v5;
	v32 =	vsel vm6, v3, v1  }
0xef: {  	v11 =	vsel vm6, $0x2, v0;
	vm6 =	vlt.f32 v12, v25;
	v35 =	vsel vm7, v13, v14  }
0xf0: {  	v40 =	vsel vm0, v18, v19;
	v18 =	vsel vm2, $0x4, v0;
	v19 =	vsel vm3, $0x4, v0  }
0xf1: {  	v33 =	vsel vm6, v7, v5;
	v34 =	vsel vm6, v3, v1;
	v12 =	vsel vm6, $0x2, v0  }
0xf2: {  	vm6 =	vlt.f32 v15, v26;
	v15 =	vsel vm7, $0x4, v0;
	v14 =	vsel vm5, v6, v2  }
0xf3: {  	v30 =	vsel vm1, v20, v30;
	v20 =	vsel vm1, $0x4, v0;
	v31 =	vsel vm2, v31, v32  }
0xf4: {  	vm13 =	vlt.f32 v35, v17;
	vm14 =	vlt.f32 v40, v16;
	v17 =	vsel vm4, $0x4, v0  }
0xf5: {  	v16 =	vsel vm5, $0x4, v0;
	v36 =	vsel vm6, v7, v5;
	v37 =	vsel vm6, v3, v1  }
0xf6: {  	v13 =	vsel vm6, $0x2, v0;
	vm6 =	vlt.f32 v14, v28;
	v61 =	vsel vm3, v33, v34  }
0xf7: {  	vm15 =	vlt.f32 v30, v22;
	vm9 =	vlt.f32 v31, v23;
	v22 =	vor.u32 v24, v27  }
0xf8: {  	v24 =	vsel vm13, $0x1, v0;
	v38 =	vsel vm6, v7, v5;
	v39 =	vsel vm6, v3, v1  }
0xf9: {  	v14 =	vsel vm6, $0x2, v0;
	v62 =	vsel vm4, v36, v37;
	vm8 =	vlt.f32 v61, v25  }
0xfa: {  	v23 =	vor.u32 v29, v22;
	v22 =	vsel vm14, $0x1, v0;
	v63 =	vsel vm5, v38, v39  }
0xfb: {  	s22 =	sadd.s32 $0x80, s22;
	s23 =	sadd.s32 $0x100, s23;
	[tilespmem:s21+$0x0] =	vst v23;
	vm10 =	vlt.f32 v62, v26;
	v23 =	vsel vm15, $0x1, v0;
	vm7 =	vlt.f32 v63, v28  }
.LBB2_26:
0xfc: {  	v25 =	vld [tilespmem:s23+$0x0]  }
0xfd: {  	v29 =	vld [tilespmem:s23+$0xFFFFFFA0]  }
0xfe: {  	v26 =	vsel vm9, $0x1, v0;
	v27 =	vsel vm8, $0x1, v0;
	v9 =	vor.u32 v21, v9;
	v21 =	vld [tilespmem:s23+$0xFFFFFFB0]  }
0xff: {  	v28 =	vsel vm10, $0x1, v0;
	v8 =	vor.u32 v15, v8;
	v11 =	vor.u32 v18, v11;
	v18 =	vld [tilespmem:s23+$0xFFFFFFC0]  }
0x100: {  	v15 =	vsel vm7, $0x1, v0;
	v14 =	vor.u32 v16, v14;
	v16 =	vld [tilespmem:s23+$0xFFFFFFD0];
	v8 =	vor.u32 v24, v8  }
0x101: {  	v10 =	vor.u32 v20, v10;
	v12 =	vor.u32 v19, v12;
	[tilespmem:s21+$0xFFFFFF90] =	vst v8;
	v8 =	vor.u32 v22, v9  }
0x102: {  	v13 =	vor.u32 v17, v13;
	v9 =	vor.u32 v23, v10;
	v10 =	vor.u32 v26, v11;
	v11 =	vld [tilespmem:s23+$0xFFFFFFE0];
	[tilespmem:s21+$0xFFFFFFA0] =	vst v8  }
0x103: {  	v8 =	vor.u32 v27, v12;
	v12 =	vor.u32 v28, v13;
	[tilespmem:s21+$0xFFFFFFB0] =	vst v9;
	v9 =	vor.u32 v15, v14  }
0x104: {  	v14 =	vld [tilespmem:s23+$0xFFFFFF90];
	vm0 =	vlt.f32 v4, v25;
	vm2 =	vlt.f32 v4, v29;
	vm8 =	vlt.f32 v4, v21  }
0x105: {  	vm3 =	vlt.f32 v4, v18;
	vm7 =	vlt.f32 v4, v16;
	v17 =	vsel vm0, v6, v2  }
0x106: {  	[tilespmem:s21+$0xFFFFFFD0] =	vst v8;
	v15 =	vsel vm2, v6, v2;
	v8 =	vsel vm8, v6, v2;
	vm1 =	vmmov vm3  }
0x107: {  	[tilespmem:s21+$0xFFFFFFC0] =	vst v10;
	vm4 =	vlt.f32 v17, v25;
	vm10 =	vlt.f32 v4, v11;
	vm13 =	vlt.f32 v8, v21  }
0x108: {  	v13 =	vld [tilespmem:s23+$0xFFFFFFF0];
	[tilespmem:s21+$0xFFFFFFE0] =	vst v12;
	v10 =	vsel vm4, v7, v5;
	v17 =	vsel vm4, v3, v1;
	v12 =	vsel vm4, $0x2, v0  }
0x109: {  	vm6 =	vlt.f32 v4, v14;
	vm4 =	vmmov vm7;
	v10 =	vsel vm0, v10, v17  }
0x10a: {  	v17 =	vsel vm7, v6, v2;
	vm5 =	vlt.f32 v10, v25;
	v10 =	vsel vm0, $0x4, v0  }
0x10b: {  	vm0 =	vlt.f32 v15, v29;
	vm15 =	vlt.f32 v17, v16;
	v15 =	vsel vm13, v7, v5  }
0x10c: {  	[tilespmem:s21+$0xFFFFFFF0] =	vst v9;
	v17 =	vsel vm13, v3, v1;
	v9 =	vor.u32 v10, v12;
	v10 =	vsel vm5, $0x1, v0  }
0x10d: {  	vm5 =	vlt.f32 v4, v13;
	v12 =	vsel vm3, v6, v2;
	v22 =	vsel vm15, v7, v5  }
0x10e: {  	v23 =	vsel vm15, v3, v1;
	v9 =	vor.u32 v10, v9;
	v10 =	vsel vm6, v6, v2  }
0x10f: {  	s21 =	sadd.s32 $0x100, s21;
	vm14 =	vlt.f32 v12, v18;
	vm7 =	vlt.f32 v10, v14;
	v10 =	vimm.s32 $0x0  }
0x110: {  	v12 =	vsel vm0, v3, v1;
	[tilespmem:s21+$0x0] =	vst v9;
	v9 =	vsel vm10, v6, v2;
	v10 =	vsel vm10, $0xFFFFFFFF, v10  }
0x111: {  	vm11 =	vlt.f32 v9, v11;
	v8 =	vsel vm7, v7, v5;
	[tilespmem:$0x1FF80] =	vst v10;
	v10 =	vsel vm5, v6, v2  }
0x112: {  	v9 =	vsel vm7, v3, v1;
	vm12 =	vlt.f32 v10, v13;
	v10 =	vsel vm0, v7, v5  }
0x113: {  	vm3 =	vmmov vm8;
	v8 =	vsel vm6, v8, v9;
	v10 =	vsel vm2, v10, v12  }
0x114: {  	v12 =	vsel vm8, v15, v17;
	vm8 =	vlt.f32 v8, v14;
	v8 =	vimm.s32 $0x0  }
0x115: {  	v19 =	vsel vm14, v7, v5;
	v20 =	vsel vm14, v3, v1;
	v8 =	vsel vm8, $0xFFFFFFFF, v8  }
0x116: {  	v24 =	vsel vm11, v7, v5;
	vm8 =	vlt.f32 v10, v29;
	[tilespmem:$0x1FF90] =	vst v8;
	v8 =	vimm.s32 $0x0  }
0x117: {  	v25 =	vsel vm11, v3, v1;
	v17 =	vsel vm4, v22, v23;
	v8 =	vsel vm8, $0xFFFFFFFF, v8;
	v22 =	vld [tilespmem:$0x1FF90]  }
0x118: {  	v9 =	vsel vm12, v7, v5;
	vm8 =	vlt.f32 v12, v21;
	[tilespmem:$0x1FFA0] =	vst v8;
	v8 =	vimm.s32 $0x0  }
0x119: {  	v26 =	vsel vm12, v3, v1;
	v15 =	vsel vm1, v19, v20;
	v8 =	vsel vm8, $0xFFFFFFFF, v8  }
0x11a: {  	v19 =	vsel vm10, v24, v25;
	v14 =	vsel vm12, $0x2, v0;
	vm8 =	vlt.f32 v17, v16;
	v16 =	vld [tilespmem:$0x1FF80];
	[tilespmem:$0x1FFB0] =	vst v8  }
0x11b: {  	v20 =	vsel vm5, v9, v26;
	vm9 =	vlt.f32 v15, v18;
	vm10 =	vlt.f32 v19, v11;
	v23 =	vld [tilespmem:$0x1FFB0]  }
0x11c: {  	s22 =	sadd.s32 $0x80, s22;
	v9 =	vsel vm0, $0x2, v0;
	v10 =	vsel vm13, $0x2, v0;
	vm13 =	vnez.u8 v22;
	v22 =	vld [tilespmem:$0x1FFA0]  }
0x11d: {  	p1 =	slt.u32 s22, $0x3F80;
	v11 =	vsel vm14, $0x2, v0;
	v15 =	vsel vm6, $0x4, v0;
	v18 =	vsel vm1, $0x4, v0  }
.Ltmp16:
0x11e: {  	v19 =	vsel vm4, $0x4, v0;
	v12 =	vsel vm15, $0x2, v0;
	v21 =	vsel vm2, $0x4, v0;
	(pc) =	sbr.rel @p1 .LBB2_26-.Ltmp16, $4  }
0x11f: {  	v8 =	vsel vm7, $0x2, v0;
	vm7 =	vlt.f32 v20, v13;
	v13 =	vsel vm11, $0x2, v0  }
0x120: {  	v20 =	vsel vm3, $0x4, v0;
	v24 =	vsel vm13, $0x1, v0;
	vm12 =	vnez.u8 v16  }
0x121: {  	v16 =	vsel vm5, $0x4, v0;
	vm15 =	vnez.u8 v23;
	vm14 =	vnez.u8 v22  }
0x122: {  	s23 =	sadd.s32 $0x100, s23;
	v17 =	vsel vm12, $0x4, v0;
	v23 =	vsel vm15, $0x1, v0;
	v22 =	vsel vm14, $0x1, v0  }
0x123: {  	v8 =	vor.u32 v15, v8  }
0x124: {  	v10 =	vor.u32 v20, v10;
	v8 =	vor.u32 v24, v8  }
0x125: {  	v9 =	vor.u32 v21, v9;
	v10 =	vor.u32 v23, v10;
	[tilespmem:s21+$0xFFFFFF90] =	vst v8  }
0x126: {  	v59 =	vsel vm9, $0x1, v0;
	v11 =	vor.u32 v18, v11;
	v8 =	vor.u32 v22, v9;
	[tilespmem:s21+$0xFFFFFFB0] =	vst v10  }
0x127: {  	v60 =	vsel vm10, $0x1, v0;
	v61 =	vor.u32 v17, v13;
	v9 =	vor.u32 v59, v11;
	[tilespmem:s21+$0xFFFFFFA0] =	vst v8  }
0x128: {  	v12 =	vor.u32 v19, v12;
	v10 =	vor.u32 v60, v61;
	v8 =	vsel vm8, $0x1, v0;
	[tilespmem:s21+$0xFFFFFFC0] =	vst v9  }
0x129: {  	v62 =	vsel vm7, $0x1, v0;
	v63 =	vor.u32 v16, v14;
	[tilespmem:s21+$0xFFFFFFE0] =	vst v10;
	v8 =	vor.u32 v8, v12  }
0x12a: {  	[tilespmem:s21+$0xFFFFFFD0] =	vst v8;
	v8 =	vor.u32 v62, v63  }
0x12b: {  	[tilespmem:s21+$0xFFFFFFF0] =	vst v8  }
.LBB2_28:
0x12c: {  	s20 =	sadd.s32 s20, s3  }
0x12d: {  	s21 =	simm.s32 $0x8480;
	s20 =	sadd.s32 $0x800, s20  }
0x12e: {  	s22 =	simm.s32 $0x10;
	s23 =	simm.s32 $0x8580;
	s24 =	sadd.s32 $0x0, s20  }
.LBB2_29:
0x12f: {  	[hbm4b:s24+s4] =	stream.linear.scatter [tilespmem:s21], [sflag:$0x4], $0x80, $0x38;
	[tilespmem:$0x10400] =	vst v63  }
0x130: {  	s24 =	smov.u32 s22;
	s21 =	smov.u32 s23;
	p1 =	sne.s32 s22, $0x7F0  }
.Ltmp17:
0x131: {  	s22 =	sadd.s32 $0x10, s22;
	(pc) =	sbr.rel @p1 .LBB2_29-.Ltmp17, $2  }
0x132: {  	_ =	sdelay $0x2  }
0x133: {  	s23 =	sadd.s32 $0x100, s23;
	s24 =	sadd.s32 s24, s20  }
0x134: {  	p1 =	seq.s32 s18, $0x1F  }
.Ltmp18:
0x135: {  	_ = 	snop;
	(pc) =	sbr.rel @p1 .LBB2_34-.Ltmp18, $2  }
0x136: {  	_ =	sdelay $0x2  }
0x137: {  	[hbm4b:s24+s4] =	stream.linear.scatter [tilespmem:s21], [sflag:$0x4], $0x80, $0x38;
	[tilespmem:$0x10400] =	vst v63  }
0x138: {  	s19 =	sadd.s32 s19, s10  }
0x139: {  	s19 =	sshrl.u32 s19, $0x3  }
0x13a: {  	s20 =	simm.s32 $0x480;
	s19 =	sadd.s32 s1, s19  }
0x13b: {  	s21 =	simm.s32 $0x10;
	s22 =	simm.s32 $0x580;
	s23 =	sadd.s32 $0x0, s19  }
.LBB2_32:
0x13c: {  	[tilespmem:s20], [sflag:$0x2] =	stream.linear.gather [hbm4b:s23+s4], $0x80, $0x38;
	[tilespmem:$0x10400] =	vst v63  }
0x13d: {  	s23 =	smov.u32 s21;
	s20 =	smov.u32 s22;
	p1 =	sne.s32 s21, $0x7F0  }
.Ltmp19:
0x13e: {  	s21 =	sadd.s32 $0x10, s21;
	(pc) =	sbr.rel @p1 .LBB2_32-.Ltmp19, $2  }
0x13f: {  	_ =	sdelay $0x2  }
0x140: {  	s22 =	sadd.s32 $0x100, s22;
	s23 =	sadd.s32 s23, s19  }
.Ltmp20:
0x141: {  	(pc) =	sbr.rel .LBB2_6-.Ltmp20, $3  }
0x142: {  	_ =	sdelay $0x1  }
0x143: {  	[tilespmem:s20], [sflag:$0x2] =	stream.linear.gather [hbm4b:s23+s4], $0x80, $0x38;
	[tilespmem:$0x10400] =	vst v63  }
0x144: {  	s18 =	sadd.s32 $0x1, s18  }
.LBB2_35:
0x145: {  	_ =	sfence.sel $0x180000  }
0x146: {  	[bflag:$0x0] =	sbarrier.arrive $0xFFFF  }
0x147: {  	p0 =	sne.s32 s0, $0x0;
	_ =	strace $0x90000047  }
0x148: {  	s0 =	sadd.s32 @!p0 $0x100000, s2;
	[bflag:$0x2] =	sbarrier.arrive $0xFFFF  }
0x149: {  	[sflag:s0] =	ssyncadd.tile.s32 @!p0 $0x1;
	_ =	shalt  }
.Lfunc_end2:
_tile_overlayer_lowered:
.L_overlay_start_2:
0x14a: {  	(tag) =	ssettag $0x2  }
0x14b: {  	s0 =	rddreg [dreg:$0x0];
	s2 =	stileid.u32  }
0x14c: {  	s1 =	rddreg [dreg:$0x1];
	p0 =	sne.s32 s2, $0x0  }
0x14d: {  	s3 =	rddreg [dreg:$0x2];
	[bflag:$0x3] =	sbarrier.arrive $0xFFFF;
	s2 =	simm.s32 @!p0 $0x1C05  }
0x14e: {  	[timem:s3], [sflag:s2] =	dma.local @!p0 [hbm:s0], s1  }
0x14f: {  	s0 =	simm.s32 @!p0 $0x5  }
0x150: {  	_ =	swait.ge @!p0 [sflag:s0], s1  }
0x151: {  	s1 =	ssub.s32 @!p0 $0x0, s1;
	[sflag:s0] =	ssyncset.done @!p0 $0x0  }
0x152: {  	[sflag:s0] =	ssyncadd.s32 @!p0 s1  }
0x153: {  	[bflag:$0x3] =	sbarrier.arrive $0xFFFF  }
0x154: {  	_ =	shalt  }

</sc_bundles>
